<compile_context>
chip_gen: v7x
topology: tpu7x:2x2x1
jax: 0.10.2.dev20260603
libtpu: 0.0.44.dev20260713+nightly
codegen_flags: <defaults>
</compile_context>

<pallas_src>
import functools

import jax
import jax.numpy as jnp
from jax import lax
from jax.experimental import pallas as pl
from jax.experimental.pallas import tpu as pltpu
from jax.experimental.pallas import tpu_sc as plsc

N = 50000
E = 800000
FCH = 16

NC = 2
NS = 16
NW = NC * NS

CH = 128
CHUNKS = 196
EW = CH * CHUNKS
E_PAD = EW * NW
E4 = E_PAD // 4
E8 = E_PAD // 8

P = 4
BT = 2048
NBLK = E8 // BT

NP = 50176
TSTRIPE = NP // NS

ACC_STRIPE = 3136
ACC_R = ACC_STRIPE * NS

BN = 5000


def _gather_body(ytab_hbm, ftab_hbm, idx_hbm, seg_hbm, x_hbm, fj8_hbm,
                 stage_v, idx_v, seg_v, yj_v, yi_v, fj_v,
                 ytab_s, sem1, sem2, sem3):
    cid = lax.axis_index("c")
    sid = lax.axis_index("s")
    wid = sid * NC + cid

    pltpu.sync_copy(ytab_hbm.at[pl.ds(sid * TSTRIPE, TSTRIPE)], stage_v)
    pltpu.sync_copy(stage_v, ytab_s.at[pl.ds(sid * TSTRIPE, TSTRIPE)])
    plsc.subcore_barrier()

    g = wid // 8
    rb = (wid % 8) * EW
    h = (wid % 8) // 4
    b8 = (wid % 4) * EW
    colj = 16 * g
    coli = 64 + 16 * g
    colf = 64 * h + 16 * g

    def body(ci, _):
        base = wid * EW + ci * CH
        r0 = rb + ci * CH
        r8 = b8 + ci * CH
        pltpu.sync_copy(idx_hbm.at[pl.ds(base, CH)], idx_v)
        pltpu.sync_copy(seg_hbm.at[pl.ds(base, CH)], seg_v)
        cp1 = pltpu.async_copy(ytab_s.at[idx_v], yj_v, sem1)
        cp2 = pltpu.async_copy(ytab_s.at[seg_v], yi_v, sem2)
        cp3 = pltpu.async_copy(ftab_hbm.at[idx_v], fj_v, sem3)
        cp1.wait()
        cp2.wait()
        cp3.wait()
        pltpu.sync_copy(yj_v, x_hbm.at[pl.ds(r0, CH), pl.ds(colj, 16)])
        pltpu.sync_copy(yi_v, x_hbm.at[pl.ds(r0, CH), pl.ds(coli, 16)])
        pltpu.sync_copy(fj_v, fj8_hbm.at[pl.ds(r8, CH), pl.ds(colf, 16)])
        return 0

    lax.fori_loop(0, CHUNKS, body, 0)


def _scatter_body(kk8_hbm, seg_hbm, zeros_hbm, part_hbm,
                  k_v, seg_v, acc):
    cid = lax.axis_index("c")
    sid = lax.axis_index("s")
    wid = sid * NC + cid

    pltpu.sync_copy(zeros_hbm, acc.at[pl.ds(sid * ACC_STRIPE, ACC_STRIPE)])
    plsc.subcore_barrier()

    g = wid // 8
    h = (wid % 8) // 4
    b8 = (wid % 4) * EW
    colf = 64 * h + 16 * g

    def body(ci, _):
        base = wid * EW + ci * CH
        r8 = b8 + ci * CH
        pltpu.sync_copy(seg_hbm.at[pl.ds(base, CH)], seg_v)
        pltpu.sync_copy(kk8_hbm.at[pl.ds(r8, CH), pl.ds(colf, 16)], k_v)
        pltpu.sync_copy(k_v, acc.at[seg_v], add=True)
        return 0

    lax.fori_loop(0, CHUNKS, body, 0)
    plsc.subcore_barrier()

    pltpu.sync_copy(acc.at[pl.ds(sid * ACC_STRIPE, ACC_STRIPE)],
                    part_hbm.at[cid, pl.ds(sid * ACC_STRIPE, ACC_STRIPE)])


def _mlp_body(x1_ref, x2_ref, fj_ref, w1_ref, b1_ref, w2_ref, b2_ref,
              w3_ref, b3_ref, out_ref):
    def mlp(x):
        h = jax.nn.gelu(jnp.dot(x, w1_ref[...],
                                preferred_element_type=jnp.float32)
                        + b1_ref[...])
        h = jax.nn.gelu(jnp.dot(h, w2_ref[...],
                                preferred_element_type=jnp.float32)
                        + b2_ref[...])
        return jnp.dot(h, w3_ref[...],
                       preferred_element_type=jnp.float32) + b3_ref[...]

    kk = jnp.concatenate([mlp(x1_ref[...]), mlp(x2_ref[...])], axis=1)
    out_ref[...] = kk * fj_ref[...]


def _combine_body(p0_ref, p1_ref, cnt_ref, out_ref):
    inv = 1.0 / jnp.maximum(cnt_ref[...], 1.0)
    out_ref[...] = (p0_ref[0] + p1_ref[0]) * inv


def kernel(y, neighbors_index, neighbors_row_splits, f_y, W1, b1, W2, b2, W3, b3):
    rs = neighbors_row_splits.astype(jnp.int32)
    counts = rs[1:] - rs[:-1]
    mark = jnp.zeros((E,), jnp.int32).at[rs[1:N]].add(1, mode="drop")
    seg = jnp.cumsum(mark)
    idx_p = jnp.concatenate(
        [neighbors_index.astype(jnp.int32),
         jnp.zeros((E_PAD - E,), jnp.int32)])
    seg_p = jnp.concatenate([seg, jnp.full((E_PAD - E,), N, jnp.int32)])
    ytab = jnp.zeros((NP, 16), jnp.float32).at[:N, :3].set(y)
    ftab = jnp.zeros((NP, 16), jnp.float32).at[:N].set(f_y)
    zeros_stripe = jnp.zeros((ACC_STRIPE, 16), jnp.float32)
    cnt_f = counts.astype(jnp.float32).reshape(N, 1)

    w1j = jnp.zeros((16, 64), jnp.float32).at[0:3].set(W1[0:3])
    w1i = jnp.zeros((16, 64), jnp.float32).at[0:3].set(W1[3:6])
    w1p = jnp.zeros((128, 256), jnp.float32)
    w2d = jnp.zeros((256, 256), jnp.float32)
    w3d = jnp.zeros((256, 64), jnp.float32)
    for g in range(P):
        w1p = w1p.at[16 * g:16 * g + 16, 64 * g:64 * g + 64].set(w1j)
        w1p = w1p.at[64 + 16 * g:64 + 16 * g + 16,
                     64 * g:64 * g + 64].set(w1i)
        w2d = w2d.at[64 * g:64 * g + 64, 64 * g:64 * g + 64].set(W2)
        w3d = w3d.at[64 * g:64 * g + 64, 16 * g:16 * g + 16].set(W3)
    b1d = jnp.tile(b1, P).reshape(1, 256)
    b2d = jnp.tile(b2, P).reshape(1, 256)
    b3d = jnp.tile(b3, P).reshape(1, 64)

    mesh = plsc.VectorSubcoreMesh(core_axis_name="c", subcore_axis_name="s")
    sc_params = pltpu.CompilerParams(use_tc_tiling_on_sc=False)

    gather_k = pl.kernel(
        _gather_body,
        out_type=(jax.ShapeDtypeStruct((E4, 128), jnp.float32),
                  jax.ShapeDtypeStruct((E8, 128), jnp.float32)),
        mesh=mesh,
        compiler_params=sc_params,
        scratch_types=(
            pltpu.VMEM((TSTRIPE, 16), jnp.float32),
            pltpu.VMEM((CH,), jnp.int32),
            pltpu.VMEM((CH,), jnp.int32),
            pltpu.VMEM((CH, 16), jnp.float32),
            pltpu.VMEM((CH, 16), jnp.float32),
            pltpu.VMEM((CH, 16), jnp.float32),
            pltpu.MemorySpace.VMEM_SHARED((NP, 16), jnp.float32),
            pltpu.SemaphoreType.DMA,
            pltpu.SemaphoreType.DMA,
            pltpu.SemaphoreType.DMA,
        ),
    )
    x_arr, fj8 = gather_k(ytab, ftab, idx_p, seg_p)

    kk8 = pl.pallas_call(
        _mlp_body,
        grid=(NBLK,),
        in_specs=[
            pl.BlockSpec((BT, 128), lambda i: (i, 0)),
            pl.BlockSpec((BT, 128), lambda i: (i + NBLK, 0)),
            pl.BlockSpec((BT, 128), lambda i: (i, 0)),
            pl.BlockSpec((128, 256), lambda i: (0, 0)),
            pl.BlockSpec((1, 256), lambda i: (0, 0)),
            pl.BlockSpec((256, 256), lambda i: (0, 0)),
            pl.BlockSpec((1, 256), lambda i: (0, 0)),
            pl.BlockSpec((256, 64), lambda i: (0, 0)),
            pl.BlockSpec((1, 64), lambda i: (0, 0)),
        ],
        out_specs=pl.BlockSpec((BT, 128), lambda i: (i, 0)),
        out_shape=jax.ShapeDtypeStruct((E8, 128), jnp.float32),
    )(x_arr, x_arr, fj8, w1p, b1d, w2d, b2d, w3d, b3d)

    scatter_k = pl.kernel(
        _scatter_body,
        out_type=jax.ShapeDtypeStruct((NC, ACC_R, 16), jnp.float32),
        mesh=mesh,
        compiler_params=sc_params,
        scratch_types=(
            pltpu.VMEM((CH, 16), jnp.float32),
            pltpu.VMEM((CH,), jnp.int32),
            pltpu.MemorySpace.VMEM_SHARED((ACC_R, 16), jnp.float32),
        ),
    )
    partials = scatter_k(kk8, seg_p, zeros_stripe)

    out = pl.pallas_call(
        _combine_body,
        grid=(N // BN,),
        in_specs=[
            pl.BlockSpec((1, BN, 16), lambda i: (0, i, 0)),
            pl.BlockSpec((1, BN, 16), lambda i: (1, i, 0)),
            pl.BlockSpec((BN, 1), lambda i: (i, 0)),
        ],
        out_specs=pl.BlockSpec((BN, 16), lambda i: (i, 0)),
        out_shape=jax.ShapeDtypeStruct((N, FCH), jnp.float32),
    )(partials, partials, cnt_f)
    return out

# --- scband reference (transcript-rebuilt; emitter-appended) ---
"""Pipeline reference for scband-integral-transform-2911987826756 (READ-ONLY COPY).

The authoritative reference and input builder live on the scoring server;
editing this copy changes nothing except your own understanding.
"""

import jax, jax.numpy as jnp
import numpy as np

N = 50000
E = 800000
COORD = 3
FCH = 16


def _mlp(h, W1, b1, W2, b2, W3, b3):
    h = jax.nn.gelu(h @ W1 + b1)
    h = jax.nn.gelu(h @ W2 + b2)
    return h @ W3 + b3


def setup_inputs(seed: int = 0):
    key = jax.random.key(seed)
    ks = jax.random.split(key, 8)
    y = jax.random.uniform(ks[0], (N, COORD), dtype=jnp.float32)
    neighbors_index = jax.random.randint(ks[1], (E,), 0, N)
    raw = jnp.sort(jax.random.randint(ks[2], (N + 1,), 0, E))
    neighbors_row_splits = raw.at[0].set(0).at[-1].set(E)
    f_y = jax.random.normal(ks[3], (N, FCH), dtype=jnp.float32)

    def glorot(k, shape):
        lim = (6.0 / (shape[0] + shape[1])) ** 0.5
        return jax.random.uniform(k, shape, jnp.float32, -lim, lim)

    W1 = glorot(ks[4], (2 * COORD, 64))
    b1 = jnp.zeros((64,), jnp.float32)
    W2 = glorot(ks[5], (64, 64))
    b2 = jnp.zeros((64,), jnp.float32)
    W3 = glorot(ks[6], (64, FCH))
    b3 = jnp.zeros((FCH,), jnp.float32)
    return {"y": y, "neighbors_index": neighbors_index,
            "neighbors_row_splits": neighbors_row_splits, "f_y": f_y,
            "W1": W1, "b1": b1, "W2": W2, "b2": b2, "W3": W3, "b3": b3}


def reference(y, neighbors_index, neighbors_row_splits, f_y, W1, b1, W2, b2, W3, b3):
    # x = y (x is None in forward)
    counts = neighbors_row_splits[1:] - neighbors_row_splits[:-1]
    seg_ids = jnp.repeat(jnp.arange(N), counts, total_repeat_length=E)
    # rep_features = y[neighbors_index]
    rep_features = jnp.take(y, neighbors_index, axis=0)
    # self_features = torch.repeat_interleave(x, num_reps, dim=0)
    self_features = jnp.repeat(y, counts, axis=0, total_repeat_length=E)
    agg = jnp.concatenate([rep_features, self_features], axis=-1)
    k = _mlp(agg, W1, b1, W2, b2, W3, b3)
    # transform_type == 'linear': multiply kernel by f(y) (diagonal kernel)
    in_features = jnp.take(f_y, neighbors_index, axis=0)
    k = k * in_features
    # weights is None -> Monte-Carlo mean over each neighborhood (segment_csr reduce='mean')
    sums = jax.ops.segment_sum(k, seg_ids, num_segments=N)
    out = sums / jnp.maximum(counts, 1).astype(jnp.float32)[:, None]
    return out

if __name__ == "__main__":
    import jax
    _d = setup_inputs()
    print(jax.jit(kernel)(*tuple(_d.values())))

</pallas_src>

<mosaic_0001>
#map = affine_map<(d0, d1) -> (0, 0)>
#map1 = affine_map<(d0, d1) -> (0)>
module attributes {stable_mosaic.version = 14 : i64} {
  func.func @_gather_body(%arg0: i32, %arg1: i32, %arg2: memref<50176x16xf32, #tpu.memory_space<hbm>>, %arg3: memref<50176x16xf32, #tpu.memory_space<hbm>>, %arg4: memref<802816xi32, #tpu.memory_space<hbm>>, %arg5: memref<802816xi32, #tpu.memory_space<hbm>>, %arg6: memref<200704x128xf32, #tpu.memory_space<hbm>>, %arg7: memref<100352x128xf32, #tpu.memory_space<hbm>>, %arg8: memref<3136x16xf32, #tpu.memory_space<vmem>>, %arg9: memref<128xi32, #tpu.memory_space<vmem>>, %arg10: memref<128xi32, #tpu.memory_space<vmem>>, %arg11: memref<128x16xf32, #tpu.memory_space<vmem>>, %arg12: memref<128x16xf32, #tpu.memory_space<vmem>>, %arg13: memref<128x16xf32, #tpu.memory_space<vmem>>, %arg14: memref<50176x16xf32, #tpu.memory_space<vmem_shared>>, %arg15: memref<!tpu.dma_semaphore, #tpu.memory_space<semaphore_mem>>, %arg16: memref<!tpu.dma_semaphore, #tpu.memory_space<semaphore_mem>>, %arg17: memref<!tpu.dma_semaphore, #tpu.memory_space<semaphore_mem>>) attributes {dimension_semantics = [#tpu.dimension_semantics<core_parallel>, #tpu.dimension_semantics<subcore_parallel>], iteration_bounds = array<i64: 2, 16>, scalar_prefetch = 0 : i64, scratch_operands = 10 : i64, tpu.core_type = #tpu.core_type<sc_vector_subcore>, window_params = [{transform_indices = #map}, {transform_indices = #map}, {transform_indices = #map1}, {transform_indices = #map1}, {transform_indices = #map}, {transform_indices = #map}]} {
    %mul3A = arith.constant 2 : i32
    %mul3A_0 = arith.muli %arg1, %mul3A : i32
    %add3A = arith.addi %mul3A_0, %arg0 : i32
    %mul3A_1 = arith.constant 3136 : i32
    %mul3A_2 = arith.muli %arg1, %mul3A_1 : i32
    "tpu.region"() ({
      %run_scoped3A = tpu.sem_alloc : memref<!tpu.dma_semaphore, #tpu.memory_space<semaphore_mem>>
      %dma_start3A = arith.constant 0 : i32
      %dma_start3A_112 = tpu.memref_slice %arg2[%mul3A_2, %dma_start3A] : memref<50176x16xf32, #tpu.memory_space<hbm>> -> memref<3136x16xf32, #tpu.memory_space<hbm>>
      %dma_start3A_113 = arith.constant 0 : i32
      %dma_start3A_114 = tpu.memref_slice %arg2[%mul3A_2, %dma_start3A_113] : memref<50176x16xf32, #tpu.memory_space<hbm>> -> memref<3136x16xf32, #tpu.memory_space<hbm>>
      tpu.enqueue_dma source(%dma_start3A_114 : memref<3136x16xf32, #tpu.memory_space<hbm>>) target(%arg8 : memref<3136x16xf32, #tpu.memory_space<vmem>>) target_semaphore(%run_scoped3A : memref<!tpu.dma_semaphore, #tpu.memory_space<semaphore_mem>>)
      %dma_wait3A = arith.constant 0 : i32
      %dma_wait3A_115 = tpu.memref_slice %arg2[%mul3A_2, %dma_wait3A] : memref<50176x16xf32, #tpu.memory_space<hbm>> -> memref<3136x16xf32, #tpu.memory_space<hbm>>
      %dma_wait3A_116 = arith.constant 0 : i32
      %dma_wait3A_117 = tpu.memref_slice %arg2[%mul3A_2, %dma_wait3A_116] : memref<50176x16xf32, #tpu.memory_space<hbm>> -> memref<3136x16xf32, #tpu.memory_space<hbm>>
      tpu.wait_dma2 semaphore(%run_scoped3A : memref<!tpu.dma_semaphore, #tpu.memory_space<semaphore_mem>>) src(%dma_wait3A_117 : memref<3136x16xf32, #tpu.memory_space<hbm>>) dst(%arg8 : memref<3136x16xf32, #tpu.memory_space<vmem>>)
      tpu.yield
    }) : () -> ()
    %mul3A_3 = arith.constant 3136 : i32
    %mul3A_4 = arith.muli %arg1, %mul3A_3 : i32
    "tpu.region"() ({
      %run_scoped3A = tpu.sem_alloc : memref<!tpu.dma_semaphore, #tpu.memory_space<semaphore_mem>>
      %dma_start3A = arith.constant 0 : i32
      %dma_start3A_112 = tpu.memref_slice %arg14[%mul3A_4, %dma_start3A] : memref<50176x16xf32, #tpu.memory_space<vmem_shared>> -> memref<3136x16xf32, #tpu.memory_space<vmem_shared>>
      %dma_start3A_113 = arith.constant 0 : i32
      %dma_start3A_114 = tpu.memref_slice %arg14[%mul3A_4, %dma_start3A_113] : memref<50176x16xf32, #tpu.memory_space<vmem_shared>> -> memref<3136x16xf32, #tpu.memory_space<vmem_shared>>
      tpu.enqueue_dma source(%arg8 : memref<3136x16xf32, #tpu.memory_space<vmem>>) target(%dma_start3A_114 : memref<3136x16xf32, #tpu.memory_space<vmem_shared>>) target_semaphore(%run_scoped3A : memref<!tpu.dma_semaphore, #tpu.memory_space<semaphore_mem>>)
      %dma_wait3A = arith.constant 0 : i32
      %dma_wait3A_115 = tpu.memref_slice %arg14[%mul3A_4, %dma_wait3A] : memref<50176x16xf32, #tpu.memory_space<vmem_shared>> -> memref<3136x16xf32, #tpu.memory_space<vmem_shared>>
      %dma_wait3A_116 = arith.constant 0 : i32
      %dma_wait3A_117 = tpu.memref_slice %arg14[%mul3A_4, %dma_wait3A_116] : memref<50176x16xf32, #tpu.memory_space<vmem_shared>> -> memref<3136x16xf32, #tpu.memory_space<vmem_shared>>
      tpu.wait_dma2 semaphore(%run_scoped3A : memref<!tpu.dma_semaphore, #tpu.memory_space<semaphore_mem>>) src(%arg8 : memref<3136x16xf32, #tpu.memory_space<vmem>>) dst(%dma_wait3A_117 : memref<3136x16xf32, #tpu.memory_space<vmem_shared>>)
      tpu.yield
    }) : () -> ()
    %barrier3A = arith.constant 0 : index
    tpu.barrier barrier_id(%barrier3A)
    %jit3A = arith.constant 8 : i32
    %div3A = arith.divsi %add3A, %jit3A : i32
    %sign3A = arith.constant 0 : i32
    %sign3A_5 = arith.cmpi sgt, %add3A, %sign3A : i32
    %sign3A_6 = arith.extui %sign3A_5 : i1 to i32
    %sign3A_7 = arith.constant 0 : i32
    %sign3A_8 = arith.cmpi slt, %add3A, %sign3A_7 : i32
    %sign3A_9 = arith.extui %sign3A_8 : i1 to i32
    %sign3A_10 = arith.subi %sign3A_6, %sign3A_9 : i32
    %sign3A_11 = arith.constant 0 : i32
    %sign3A_12 = arith.cmpi sgt, %jit3A, %sign3A_11 : i32
    %sign3A_13 = arith.extui %sign3A_12 : i1 to i32
    %sign3A_14 = arith.constant 0 : i32
    %sign3A_15 = arith.cmpi slt, %jit3A, %sign3A_14 : i32
    %sign3A_16 = arith.extui %sign3A_15 : i1 to i32
    %sign3A_17 = arith.subi %sign3A_13, %sign3A_16 : i32
    %ne3A = arith.cmpi ne, %sign3A_10, %sign3A_17 : i32
    %rem3A = arith.remsi %add3A, %jit3A : i32
    %ne3A_18 = arith.constant 0 : i32
    %ne3A_19 = arith.cmpi ne, %rem3A, %ne3A_18 : i32
    %and3A = arith.andi %ne3A, %ne3A_19 : i1
    %sub3A = arith.constant 1 : i32
    %sub3A_20 = arith.subi %div3A, %sub3A : i32
    %select_n3A = arith.select %and3A, %sub3A_20, %div3A : i32
    %jit3A_21 = arith.constant 8 : i32
    %eq3A = arith.constant 0 : i32
    %eq3A_22 = arith.cmpi eq, %jit3A_21, %eq3A : i32
    %jit3A_23 = arith.constant 1 : i32
    %select_n3A_24 = arith.select %eq3A_22, %jit3A_23, %jit3A_21 : i32
    %rem3A_25 = arith.remsi %add3A, %select_n3A_24 : i32
    %ne3A_26 = arith.constant 0 : i32
    %ne3A_27 = arith.cmpi ne, %rem3A_25, %ne3A_26 : i32
    %lt3A = arith.constant 0 : i32
    %lt3A_28 = arith.cmpi slt, %rem3A_25, %lt3A : i32
    %lt3A_29 = arith.constant 0 : i32
    %lt3A_30 = arith.cmpi slt, %select_n3A_24, %lt3A_29 : i32
    %ne3A_31 = arith.xori %lt3A_28, %lt3A_30 : i1
    %and3A_32 = arith.andi %ne3A_31, %ne3A_27 : i1
    %add3A_33 = arith.addi %rem3A_25, %select_n3A_24 : i32
    %select_n3A_34 = arith.select %and3A_32, %add3A_33, %rem3A_25 : i32
    %mul3A_35 = arith.constant 25088 : i32
    %mul3A_36 = arith.muli %select_n3A_34, %mul3A_35 : i32
    %jit3A_37 = arith.constant 8 : i32
    %eq3A_38 = arith.constant 0 : i32
    %eq3A_39 = arith.cmpi eq, %jit3A_37, %eq3A_38 : i32
    %jit3A_40 = arith.constant 1 : i32
    %select_n3A_41 = arith.select %eq3A_39, %jit3A_40, %jit3A_37 : i32
    %rem3A_42 = arith.remsi %add3A, %select_n3A_41 : i32
    %ne3A_43 = arith.constant 0 : i32
    %ne3A_44 = arith.cmpi ne, %rem3A_42, %ne3A_43 : i32
    %lt3A_45 = arith.constant 0 : i32
    %lt3A_46 = arith.cmpi slt, %rem3A_42, %lt3A_45 : i32
    %lt3A_47 = arith.constant 0 : i32
    %lt3A_48 = arith.cmpi slt, %select_n3A_41, %lt3A_47 : i32
    %ne3A_49 = arith.xori %lt3A_46, %lt3A_48 : i1
    %and3A_50 = arith.andi %ne3A_49, %ne3A_44 : i1
    %add3A_51 = arith.addi %rem3A_42, %select_n3A_41 : i32
    %select_n3A_52 = arith.select %and3A_50, %add3A_51, %rem3A_42 : i32
    %jit3A_53 = arith.constant 4 : i32
    %div3A_54 = arith.divsi %select_n3A_52, %jit3A_53 : i32
    %sign3A_55 = arith.constant 0 : i32
    %sign3A_56 = arith.cmpi sgt, %select_n3A_52, %sign3A_55 : i32
    %sign3A_57 = arith.extui %sign3A_56 : i1 to i32
    %sign3A_58 = arith.constant 0 : i32
    %sign3A_59 = arith.cmpi slt, %select_n3A_52, %sign3A_58 : i32
    %sign3A_60 = arith.extui %sign3A_59 : i1 to i32
    %sign3A_61 = arith.subi %sign3A_57, %sign3A_60 : i32
    %sign3A_62 = arith.constant 0 : i32
    %sign3A_63 = arith.cmpi sgt, %jit3A_53, %sign3A_62 : i32
    %sign3A_64 = arith.extui %sign3A_63 : i1 to i32
    %sign3A_65 = arith.constant 0 : i32
    %sign3A_66 = arith.cmpi slt, %jit3A_53, %sign3A_65 : i32
    %sign3A_67 = arith.extui %sign3A_66 : i1 to i32
    %sign3A_68 = arith.subi %sign3A_64, %sign3A_67 : i32
    %ne3A_69 = arith.cmpi ne, %sign3A_61, %sign3A_68 : i32
    %rem3A_70 = arith.remsi %select_n3A_52, %jit3A_53 : i32
    %ne3A_71 = arith.constant 0 : i32
    %ne3A_72 = arith.cmpi ne, %rem3A_70, %ne3A_71 : i32
    %and3A_73 = arith.andi %ne3A_69, %ne3A_72 : i1
    %sub3A_74 = arith.constant 1 : i32
    %sub3A_75 = arith.subi %div3A_54, %sub3A_74 : i32
    %select_n3A_76 = arith.select %and3A_73, %sub3A_75, %div3A_54 : i32
    %jit3A_77 = arith.constant 4 : i32
    %eq3A_78 = arith.constant 0 : i32
    %eq3A_79 = arith.cmpi eq, %jit3A_77, %eq3A_78 : i32
    %jit3A_80 = arith.constant 1 : i32
    %select_n3A_81 = arith.select %eq3A_79, %jit3A_80, %jit3A_77 : i32
    %rem3A_82 = arith.remsi %add3A, %select_n3A_81 : i32
    %ne3A_83 = arith.constant 0 : i32
    %ne3A_84 = arith.cmpi ne, %rem3A_82, %ne3A_83 : i32
    %lt3A_85 = arith.constant 0 : i32
    %lt3A_86 = arith.cmpi slt, %rem3A_82, %lt3A_85 : i32
    %lt3A_87 = arith.constant 0 : i32
    %lt3A_88 = arith.cmpi slt, %select_n3A_81, %lt3A_87 : i32
    %ne3A_89 = arith.xori %lt3A_86, %lt3A_88 : i1
    %and3A_90 = arith.andi %ne3A_89, %ne3A_84 : i1
    %add3A_91 = arith.addi %rem3A_82, %select_n3A_81 : i32
    %select_n3A_92 = arith.select %and3A_90, %add3A_91, %rem3A_82 : i32
    %mul3A_93 = arith.constant 25088 : i32
    %mul3A_94 = arith.muli %select_n3A_92, %mul3A_93 : i32
    %mul3A_95 = arith.constant 16 : i32
    %mul3A_96 = arith.muli %mul3A_95, %select_n3A : i32
    %mul3A_97 = arith.constant 16 : i32
    %mul3A_98 = arith.muli %mul3A_97, %select_n3A : i32
    %add3A_99 = arith.constant 64 : i32
    %add3A_100 = arith.addi %add3A_99, %mul3A_98 : i32
    %mul3A_101 = arith.constant 64 : i32
    %mul3A_102 = arith.muli %mul3A_101, %select_n3A_76 : i32
    %mul3A_103 = arith.constant 16 : i32
    %mul3A_104 = arith.muli %mul3A_103, %select_n3A : i32
    %add3A_105 = arith.addi %mul3A_102, %mul3A_104 : i32
    %scan3A = arith.constant 0 : i32
    %scan3A_106 = arith.constant 0 : i32
    %scan3A_107 = arith.constant 196 : i32
    %scan3A_108 = arith.addi %scan3A_106, %scan3A_107 : i32
    %scan3A_109 = arith.constant 1 : i32
    %scan3A_110 = scf.for %scan3A_112 = %scan3A_106 to %scan3A_108 step %scan3A_109 iter_args(%scan3A_113 = %scan3A) -> (i32)  : i32 {
      %mul3A_114 = arith.constant 25088 : i32
      %mul3A_115 = arith.muli %add3A, %mul3A_114 : i32
      %mul3A_116 = arith.constant 128 : i32
      %mul3A_117 = arith.muli %scan3A_112, %mul3A_116 : i32
      %add3A_118 = arith.addi %mul3A_115, %mul3A_117 : i32
      %mul3A_119 = arith.constant 128 : i32
      %mul3A_120 = arith.muli %scan3A_112, %mul3A_119 : i32
      %add3A_121 = arith.addi %mul3A_36, %mul3A_120 : i32
      %mul3A_122 = arith.constant 128 : i32
      %mul3A_123 = arith.muli %scan3A_112, %mul3A_122 : i32
      %add3A_124 = arith.addi %mul3A_94, %mul3A_123 : i32
      "tpu.region"() ({
        %run_scoped3A = tpu.sem_alloc : memref<!tpu.dma_semaphore, #tpu.memory_space<semaphore_mem>>
        %dma_start3A_142 = tpu.memref_slice %arg4[%add3A_118] : memref<802816xi32, #tpu.memory_space<hbm>> -> memref<128xi32, #tpu.memory_space<hbm>>
        %dma_start3A_143 = tpu.memref_slice %arg4[%add3A_118] : memref<802816xi32, #tpu.memory_space<hbm>> -> memref<128xi32, #tpu.memory_space<hbm>>
        tpu.enqueue_dma source(%dma_start3A_143 : memref<128xi32, #tpu.memory_space<hbm>>) target(%arg9 : memref<128xi32, #tpu.memory_space<vmem>>) target_semaphore(%run_scoped3A : memref<!tpu.dma_semaphore, #tpu.memory_space<semaphore_mem>>)
        %dma_wait3A_144 = tpu.memref_slice %arg4[%add3A_118] : memref<802816xi32, #tpu.memory_space<hbm>> -> memref<128xi32, #tpu.memory_space<hbm>>
        %dma_wait3A_145 = tpu.memref_slice %arg4[%add3A_118] : memref<802816xi32, #tpu.memory_space<hbm>> -> memref<128xi32, #tpu.memory_space<hbm>>
        tpu.wait_dma2 semaphore(%run_scoped3A : memref<!tpu.dma_semaphore, #tpu.memory_space<semaphore_mem>>) src(%dma_wait3A_145 : memref<128xi32, #tpu.memory_space<hbm>>) dst(%arg9 : memref<128xi32, #tpu.memory_space<vmem>>)
        tpu.yield
      }) : () -> ()
      "tpu.region"() ({
        %run_scoped3A = tpu.sem_alloc : memref<!tpu.dma_semaphore, #tpu.memory_space<semaphore_mem>>
        %dma_start3A_142 = tpu.memref_slice %arg5[%add3A_118] : memref<802816xi32, #tpu.memory_space<hbm>> -> memref<128xi32, #tpu.memory_space<hbm>>
        %dma_start3A_143 = tpu.memref_slice %arg5[%add3A_118] : memref<802816xi32, #tpu.memory_space<hbm>> -> memref<128xi32, #tpu.memory_space<hbm>>
        tpu.enqueue_dma source(%dma_start3A_143 : memref<128xi32, #tpu.memory_space<hbm>>) target(%arg10 : memref<128xi32, #tpu.memory_space<vmem>>) target_semaphore(%run_scoped3A : memref<!tpu.dma_semaphore, #tpu.memory_space<semaphore_mem>>)
        %dma_wait3A_144 = tpu.memref_slice %arg5[%add3A_118] : memref<802816xi32, #tpu.memory_space<hbm>> -> memref<128xi32, #tpu.memory_space<hbm>>
        %dma_wait3A_145 = tpu.memref_slice %arg5[%add3A_118] : memref<802816xi32, #tpu.memory_space<hbm>> -> memref<128xi32, #tpu.memory_space<hbm>>
        tpu.wait_dma2 semaphore(%run_scoped3A : memref<!tpu.dma_semaphore, #tpu.memory_space<semaphore_mem>>) src(%dma_wait3A_145 : memref<128xi32, #tpu.memory_space<hbm>>) dst(%arg10 : memref<128xi32, #tpu.memory_space<vmem>>)
        tpu.yield
      }) : () -> ()
      %dma_start3A = arith.constant 0 : i32
      %dma_start3A_125 = arith.constant 0 : i32
      %dma_start3A_126 = tpu.memref_slice %arg14[%dma_start3A, %dma_start3A_125] : memref<50176x16xf32, #tpu.memory_space<vmem_shared>> -> memref<50176x16xf32, #tpu.memory_space<vmem_shared>>
      tpu.enqueue_indirect_dma source(%dma_start3A_126 : memref<50176x16xf32, #tpu.memory_space<vmem_shared>>) target(%arg11 : memref<128x16xf32, #tpu.memory_space<vmem>>) offsets(%arg9 : memref<128xi32, #tpu.memory_space<vmem>>) semaphore(%arg15 : memref<!tpu.dma_semaphore, #tpu.memory_space<semaphore_mem>>)
      %dma_start3A_127 = arith.constant 0 : i32
      %dma_start3A_128 = arith.constant 0 : i32
      %dma_start3A_129 = tpu.memref_slice %arg14[%dma_start3A_127, %dma_start3A_128] : memref<50176x16xf32, #tpu.memory_space<vmem_shared>> -> memref<50176x16xf32, #tpu.memory_space<vmem_shared>>
      tpu.enqueue_indirect_dma source(%dma_start3A_129 : memref<50176x16xf32, #tpu.memory_space<vmem_shared>>) target(%arg12 : memref<128x16xf32, #tpu.memory_space<vmem>>) offsets(%arg10 : memref<128xi32, #tpu.memory_space<vmem>>) semaphore(%arg16 : memref<!tpu.dma_semaphore, #tpu.memory_space<semaphore_mem>>)
      %dma_start3A_130 = arith.constant 0 : i32
      %dma_start3A_131 = arith.constant 0 : i32
      %dma_start3A_132 = tpu.memref_slice %arg3[%dma_start3A_130, %dma_start3A_131] : memref<50176x16xf32, #tpu.memory_space<hbm>> -> memref<50176x16xf32, #tpu.memory_space<hbm>>
      tpu.enqueue_indirect_dma source(%dma_start3A_132 : memref<50176x16xf32, #tpu.memory_space<hbm>>) target(%arg13 : memref<128x16xf32, #tpu.memory_space<vmem>>) offsets(%arg9 : memref<128xi32, #tpu.memory_space<vmem>>) semaphore(%arg17 : memref<!tpu.dma_semaphore, #tpu.memory_space<semaphore_mem>>)
      %dma_wait3A = arith.constant 0 : i32
      %dma_wait3A_133 = arith.constant 0 : i32
      %dma_wait3A_134 = tpu.memref_slice %arg14[%dma_wait3A, %dma_wait3A_133] : memref<50176x16xf32, #tpu.memory_space<vmem_shared>> -> memref<50176x16xf32, #tpu.memory_space<vmem_shared>>
      tpu.wait_indirect_dma semaphore(%arg15 : memref<!tpu.dma_semaphore, #tpu.memory_space<semaphore_mem>>) src(%dma_wait3A_134 : memref<50176x16xf32, #tpu.memory_space<vmem_shared>>) dst(%arg11 : memref<128x16xf32, #tpu.memory_space<vmem>>)
      %dma_wait3A_135 = arith.constant 0 : i32
      %dma_wait3A_136 = arith.constant 0 : i32
      %dma_wait3A_137 = tpu.memref_slice %arg14[%dma_wait3A_135, %dma_wait3A_136] : memref<50176x16xf32, #tpu.memory_space<vmem_shared>> -> memref<50176x16xf32, #tpu.memory_space<vmem_shared>>
      tpu.wait_indirect_dma semaphore(%arg16 : memref<!tpu.dma_semaphore, #tpu.memory_space<semaphore_mem>>) src(%dma_wait3A_137 : memref<50176x16xf32, #tpu.memory_space<vmem_shared>>) dst(%arg12 : memref<128x16xf32, #tpu.memory_space<vmem>>)
      %dma_wait3A_138 = arith.constant 0 : i32
      %dma_wait3A_139 = arith.constant 0 : i32
      %dma_wait3A_140 = tpu.memref_slice %arg3[%dma_wait3A_138, %dma_wait3A_139] : memref<50176x16xf32, #tpu.memory_space<hbm>> -> memref<50176x16xf32, #tpu.memory_space<hbm>>
      tpu.wait_indirect_dma semaphore(%arg17 : memref<!tpu.dma_semaphore, #tpu.memory_space<semaphore_mem>>) src(%dma_wait3A_140 : memref<50176x16xf32, #tpu.memory_space<hbm>>) dst(%arg13 : memref<128x16xf32, #tpu.memory_space<vmem>>)
      "tpu.region"() ({
        %run_scoped3A = tpu.sem_alloc : memref<!tpu.dma_semaphore, #tpu.memory_space<semaphore_mem>>
        %dma_start3A_142 = tpu.memref_slice %arg6[%add3A_121, %mul3A_96] : memref<200704x128xf32, #tpu.memory_space<hbm>> -> memref<128x16xf32, #tpu.memory_space<hbm>>
        %dma_start3A_143 = tpu.memref_slice %arg6[%add3A_121, %mul3A_96] : memref<200704x128xf32, #tpu.memory_space<hbm>> -> memref<128x16xf32, #tpu.memory_space<hbm>>
        tpu.enqueue_dma source(%arg11 : memref<128x16xf32, #tpu.memory_space<vmem>>) target(%dma_start3A_143 : memref<128x16xf32, #tpu.memory_space<hbm>>) target_semaphore(%run_scoped3A : memref<!tpu.dma_semaphore, #tpu.memory_space<semaphore_mem>>)
        %dma_wait3A_144 = tpu.memref_slice %arg6[%add3A_121, %mul3A_96] : memref<200704x128xf32, #tpu.memory_space<hbm>> -> memref<128x16xf32, #tpu.memory_space<hbm>>
        %dma_wait3A_145 = tpu.memref_slice %arg6[%add3A_121, %mul3A_96] : memref<200704x128xf32, #tpu.memory_space<hbm>> -> memref<128x16xf32, #tpu.memory_space<hbm>>
        tpu.wait_dma2 semaphore(%run_scoped3A : memref<!tpu.dma_semaphore, #tpu.memory_space<semaphore_mem>>) src(%arg11 : memref<128x16xf32, #tpu.memory_space<vmem>>) dst(%dma_wait3A_145 : memref<128x16xf32, #tpu.memory_space<hbm>>)
        tpu.yield
      }) : () -> ()
      "tpu.region"() ({
        %run_scoped3A = tpu.sem_alloc : memref<!tpu.dma_semaphore, #tpu.memory_space<semaphore_mem>>
        %dma_start3A_142 = tpu.memref_slice %arg6[%add3A_121, %add3A_100] : memref<200704x128xf32, #tpu.memory_space<hbm>> -> memref<128x16xf32, #tpu.memory_space<hbm>>
        %dma_start3A_143 = tpu.memref_slice %arg6[%add3A_121, %add3A_100] : memref<200704x128xf32, #tpu.memory_space<hbm>> -> memref<128x16xf32, #tpu.memory_space<hbm>>
        tpu.enqueue_dma source(%arg12 : memref<128x16xf32, #tpu.memory_space<vmem>>) target(%dma_start3A_143 : memref<128x16xf32, #tpu.memory_space<hbm>>) target_semaphore(%run_scoped3A : memref<!tpu.dma_semaphore, #tpu.memory_space<semaphore_mem>>)
        %dma_wait3A_144 = tpu.memref_slice %arg6[%add3A_121, %add3A_100] : memref<200704x128xf32, #tpu.memory_space<hbm>> -> memref<128x16xf32, #tpu.memory_space<hbm>>
        %dma_wait3A_145 = tpu.memref_slice %arg6[%add3A_121, %add3A_100] : memref<200704x128xf32, #tpu.memory_space<hbm>> -> memref<128x16xf32, #tpu.memory_space<hbm>>
        tpu.wait_dma2 semaphore(%run_scoped3A : memref<!tpu.dma_semaphore, #tpu.memory_space<semaphore_mem>>) src(%arg12 : memref<128x16xf32, #tpu.memory_space<vmem>>) dst(%dma_wait3A_145 : memref<128x16xf32, #tpu.memory_space<hbm>>)
        tpu.yield
      }) : () -> ()
      "tpu.region"() ({
        %run_scoped3A = tpu.sem_alloc : memref<!tpu.dma_semaphore, #tpu.memory_space<semaphore_mem>>
        %dma_start3A_142 = tpu.memref_slice %arg7[%add3A_124, %add3A_105] : memref<100352x128xf32, #tpu.memory_space<hbm>> -> memref<128x16xf32, #tpu.memory_space<hbm>>
        %dma_start3A_143 = tpu.memref_slice %arg7[%add3A_124, %add3A_105] : memref<100352x128xf32, #tpu.memory_space<hbm>> -> memref<128x16xf32, #tpu.memory_space<hbm>>
        tpu.enqueue_dma source(%arg13 : memref<128x16xf32, #tpu.memory_space<vmem>>) target(%dma_start3A_143 : memref<128x16xf32, #tpu.memory_space<hbm>>) target_semaphore(%run_scoped3A : memref<!tpu.dma_semaphore, #tpu.memory_space<semaphore_mem>>)
        %dma_wait3A_144 = tpu.memref_slice %arg7[%add3A_124, %add3A_105] : memref<100352x128xf32, #tpu.memory_space<hbm>> -> memref<128x16xf32, #tpu.memory_space<hbm>>
        %dma_wait3A_145 = tpu.memref_slice %arg7[%add3A_124, %add3A_105] : memref<100352x128xf32, #tpu.memory_space<hbm>> -> memref<128x16xf32, #tpu.memory_space<hbm>>
        tpu.wait_dma2 semaphore(%run_scoped3A : memref<!tpu.dma_semaphore, #tpu.memory_space<semaphore_mem>>) src(%arg13 : memref<128x16xf32, #tpu.memory_space<vmem>>) dst(%dma_wait3A_145 : memref<128x16xf32, #tpu.memory_space<hbm>>)
        tpu.yield
      }) : () -> ()
      %scan3A_141 = arith.constant 0 : i32
      scf.yield %scan3A_141 : i32
    }
    %scan3A_111 = arith.constant 196 : i32
    return
  }
}

#map = affine_map<(d0, d1) -> (0, 0)>
#map1 = affine_map<(d0, d1) -> (0)>
#map2 = affine_map<(d0, d1) -> (0, 0, 0)>
module attributes {stable_mosaic.version = 14 : i64} {
  func.func @_scatter_body(%arg0: i32, %arg1: i32, %arg2: memref<100352x128xf32, #tpu.memory_space<hbm>>, %arg3: memref<802816xi32, #tpu.memory_space<hbm>>, %arg4: memref<3136x16xf32, #tpu.memory_space<hbm>>, %arg5: memref<2x50176x16xf32, #tpu.memory_space<hbm>>, %arg6: memref<128x16xf32, #tpu.memory_space<vmem>>, %arg7: memref<128xi32, #tpu.memory_space<vmem>>, %arg8: memref<50176x16xf32, #tpu.memory_space<vmem_shared>>) attributes {dimension_semantics = [#tpu.dimension_semantics<core_parallel>, #tpu.dimension_semantics<subcore_parallel>], iteration_bounds = array<i64: 2, 16>, scalar_prefetch = 0 : i64, scratch_operands = 3 : i64, tpu.core_type = #tpu.core_type<sc_vector_subcore>, window_params = [{transform_indices = #map}, {transform_indices = #map1}, {transform_indices = #map}, {transform_indices = #map2}]} {
    %mul3A = arith.constant 2 : i32
    %mul3A_0 = arith.muli %arg1, %mul3A : i32
    %add3A = arith.addi %mul3A_0, %arg0 : i32
    %mul3A_1 = arith.constant 3136 : i32
    %mul3A_2 = arith.muli %arg1, %mul3A_1 : i32
    "tpu.region"() ({
      %run_scoped3A = tpu.sem_alloc : memref<!tpu.dma_semaphore, #tpu.memory_space<semaphore_mem>>
      %dma_start3A = arith.constant 0 : i32
      %dma_start3A_91 = tpu.memref_slice %arg8[%mul3A_2, %dma_start3A] : memref<50176x16xf32, #tpu.memory_space<vmem_shared>> -> memref<3136x16xf32, #tpu.memory_space<vmem_shared>>
      tpu.enqueue_dma source(%arg4 : memref<3136x16xf32, #tpu.memory_space<hbm>>) target(%dma_start3A_91 : memref<3136x16xf32, #tpu.memory_space<vmem_shared>>) target_semaphore(%run_scoped3A : memref<!tpu.dma_semaphore, #tpu.memory_space<semaphore_mem>>)
      %dma_wait3A = arith.constant 0 : i32
      %dma_wait3A_92 = tpu.memref_slice %arg8[%mul3A_2, %dma_wait3A] : memref<50176x16xf32, #tpu.memory_space<vmem_shared>> -> memref<3136x16xf32, #tpu.memory_space<vmem_shared>>
      tpu.wait_dma2 semaphore(%run_scoped3A : memref<!tpu.dma_semaphore, #tpu.memory_space<semaphore_mem>>) src(%arg4 : memref<3136x16xf32, #tpu.memory_space<hbm>>) dst(%dma_wait3A_92 : memref<3136x16xf32, #tpu.memory_space<vmem_shared>>)
      tpu.yield
    }) : () -> ()
    %barrier3A = arith.constant 0 : index
    tpu.barrier barrier_id(%barrier3A)
    %jit3A = arith.constant 8 : i32
    %div3A = arith.divsi %add3A, %jit3A : i32
    %sign3A = arith.constant 0 : i32
    %sign3A_3 = arith.cmpi sgt, %add3A, %sign3A : i32
    %sign3A_4 = arith.extui %sign3A_3 : i1 to i32
    %sign3A_5 = arith.constant 0 : i32
    %sign3A_6 = arith.cmpi slt, %add3A, %sign3A_5 : i32
    %sign3A_7 = arith.extui %sign3A_6 : i1 to i32
    %sign3A_8 = arith.subi %sign3A_4, %sign3A_7 : i32
    %sign3A_9 = arith.constant 0 : i32
    %sign3A_10 = arith.cmpi sgt, %jit3A, %sign3A_9 : i32
    %sign3A_11 = arith.extui %sign3A_10 : i1 to i32
    %sign3A_12 = arith.constant 0 : i32
    %sign3A_13 = arith.cmpi slt, %jit3A, %sign3A_12 : i32
    %sign3A_14 = arith.extui %sign3A_13 : i1 to i32
    %sign3A_15 = arith.subi %sign3A_11, %sign3A_14 : i32
    %ne3A = arith.cmpi ne, %sign3A_8, %sign3A_15 : i32
    %rem3A = arith.remsi %add3A, %jit3A : i32
    %ne3A_16 = arith.constant 0 : i32
    %ne3A_17 = arith.cmpi ne, %rem3A, %ne3A_16 : i32
    %and3A = arith.andi %ne3A, %ne3A_17 : i1
    %sub3A = arith.constant 1 : i32
    %sub3A_18 = arith.subi %div3A, %sub3A : i32
    %select_n3A = arith.select %and3A, %sub3A_18, %div3A : i32
    %jit3A_19 = arith.constant 8 : i32
    %eq3A = arith.constant 0 : i32
    %eq3A_20 = arith.cmpi eq, %jit3A_19, %eq3A : i32
    %jit3A_21 = arith.constant 1 : i32
    %select_n3A_22 = arith.select %eq3A_20, %jit3A_21, %jit3A_19 : i32
    %rem3A_23 = arith.remsi %add3A, %select_n3A_22 : i32
    %ne3A_24 = arith.constant 0 : i32
    %ne3A_25 = arith.cmpi ne, %rem3A_23, %ne3A_24 : i32
    %lt3A = arith.constant 0 : i32
    %lt3A_26 = arith.cmpi slt, %rem3A_23, %lt3A : i32
    %lt3A_27 = arith.constant 0 : i32
    %lt3A_28 = arith.cmpi slt, %select_n3A_22, %lt3A_27 : i32
    %ne3A_29 = arith.xori %lt3A_26, %lt3A_28 : i1
    %and3A_30 = arith.andi %ne3A_29, %ne3A_25 : i1
    %add3A_31 = arith.addi %rem3A_23, %select_n3A_22 : i32
    %select_n3A_32 = arith.select %and3A_30, %add3A_31, %rem3A_23 : i32
    %jit3A_33 = arith.constant 4 : i32
    %div3A_34 = arith.divsi %select_n3A_32, %jit3A_33 : i32
    %sign3A_35 = arith.constant 0 : i32
    %sign3A_36 = arith.cmpi sgt, %select_n3A_32, %sign3A_35 : i32
    %sign3A_37 = arith.extui %sign3A_36 : i1 to i32
    %sign3A_38 = arith.constant 0 : i32
    %sign3A_39 = arith.cmpi slt, %select_n3A_32, %sign3A_38 : i32
    %sign3A_40 = arith.extui %sign3A_39 : i1 to i32
    %sign3A_41 = arith.subi %sign3A_37, %sign3A_40 : i32
    %sign3A_42 = arith.constant 0 : i32
    %sign3A_43 = arith.cmpi sgt, %jit3A_33, %sign3A_42 : i32
    %sign3A_44 = arith.extui %sign3A_43 : i1 to i32
    %sign3A_45 = arith.constant 0 : i32
    %sign3A_46 = arith.cmpi slt, %jit3A_33, %sign3A_45 : i32
    %sign3A_47 = arith.extui %sign3A_46 : i1 to i32
    %sign3A_48 = arith.subi %sign3A_44, %sign3A_47 : i32
    %ne3A_49 = arith.cmpi ne, %sign3A_41, %sign3A_48 : i32
    %rem3A_50 = arith.remsi %select_n3A_32, %jit3A_33 : i32
    %ne3A_51 = arith.constant 0 : i32
    %ne3A_52 = arith.cmpi ne, %rem3A_50, %ne3A_51 : i32
    %and3A_53 = arith.andi %ne3A_49, %ne3A_52 : i1
    %sub3A_54 = arith.constant 1 : i32
    %sub3A_55 = arith.subi %div3A_34, %sub3A_54 : i32
    %select_n3A_56 = arith.select %and3A_53, %sub3A_55, %div3A_34 : i32
    %jit3A_57 = arith.constant 4 : i32
    %eq3A_58 = arith.constant 0 : i32
    %eq3A_59 = arith.cmpi eq, %jit3A_57, %eq3A_58 : i32
    %jit3A_60 = arith.constant 1 : i32
    %select_n3A_61 = arith.select %eq3A_59, %jit3A_60, %jit3A_57 : i32
    %rem3A_62 = arith.remsi %add3A, %select_n3A_61 : i32
    %ne3A_63 = arith.constant 0 : i32
    %ne3A_64 = arith.cmpi ne, %rem3A_62, %ne3A_63 : i32
    %lt3A_65 = arith.constant 0 : i32
    %lt3A_66 = arith.cmpi slt, %rem3A_62, %lt3A_65 : i32
    %lt3A_67 = arith.constant 0 : i32
    %lt3A_68 = arith.cmpi slt, %select_n3A_61, %lt3A_67 : i32
    %ne3A_69 = arith.xori %lt3A_66, %lt3A_68 : i1
    %and3A_70 = arith.andi %ne3A_69, %ne3A_64 : i1
    %add3A_71 = arith.addi %rem3A_62, %select_n3A_61 : i32
    %select_n3A_72 = arith.select %and3A_70, %add3A_71, %rem3A_62 : i32
    %mul3A_73 = arith.constant 25088 : i32
    %mul3A_74 = arith.muli %select_n3A_72, %mul3A_73 : i32
    %mul3A_75 = arith.constant 64 : i32
    %mul3A_76 = arith.muli %mul3A_75, %select_n3A_56 : i32
    %mul3A_77 = arith.constant 16 : i32
    %mul3A_78 = arith.muli %mul3A_77, %select_n3A : i32
    %add3A_79 = arith.addi %mul3A_76, %mul3A_78 : i32
    %scan3A = arith.constant 0 : i32
    %scan3A_80 = arith.constant 0 : i32
    %scan3A_81 = arith.constant 196 : i32
    %scan3A_82 = arith.addi %scan3A_80, %scan3A_81 : i32
    %scan3A_83 = arith.constant 1 : i32
    %scan3A_84 = scf.for %scan3A_91 = %scan3A_80 to %scan3A_82 step %scan3A_83 iter_args(%scan3A_92 = %scan3A) -> (i32)  : i32 {
      %mul3A_93 = arith.constant 25088 : i32
      %mul3A_94 = arith.muli %add3A, %mul3A_93 : i32
      %mul3A_95 = arith.constant 128 : i32
      %mul3A_96 = arith.muli %scan3A_91, %mul3A_95 : i32
      %add3A_97 = arith.addi %mul3A_94, %mul3A_96 : i32
      %mul3A_98 = arith.constant 128 : i32
      %mul3A_99 = arith.muli %scan3A_91, %mul3A_98 : i32
      %add3A_100 = arith.addi %mul3A_74, %mul3A_99 : i32
      "tpu.region"() ({
        %run_scoped3A = tpu.sem_alloc : memref<!tpu.dma_semaphore, #tpu.memory_space<semaphore_mem>>
        %dma_start3A = tpu.memref_slice %arg3[%add3A_97] : memref<802816xi32, #tpu.memory_space<hbm>> -> memref<128xi32, #tpu.memory_space<hbm>>
        %dma_start3A_102 = tpu.memref_slice %arg3[%add3A_97] : memref<802816xi32, #tpu.memory_space<hbm>> -> memref<128xi32, #tpu.memory_space<hbm>>
        tpu.enqueue_dma source(%dma_start3A_102 : memref<128xi32, #tpu.memory_space<hbm>>) target(%arg7 : memref<128xi32, #tpu.memory_space<vmem>>) target_semaphore(%run_scoped3A : memref<!tpu.dma_semaphore, #tpu.memory_space<semaphore_mem>>)
        %dma_wait3A = tpu.memref_slice %arg3[%add3A_97] : memref<802816xi32, #tpu.memory_space<hbm>> -> memref<128xi32, #tpu.memory_space<hbm>>
        %dma_wait3A_103 = tpu.memref_slice %arg3[%add3A_97] : memref<802816xi32, #tpu.memory_space<hbm>> -> memref<128xi32, #tpu.memory_space<hbm>>
        tpu.wait_dma2 semaphore(%run_scoped3A : memref<!tpu.dma_semaphore, #tpu.memory_space<semaphore_mem>>) src(%dma_wait3A_103 : memref<128xi32, #tpu.memory_space<hbm>>) dst(%arg7 : memref<128xi32, #tpu.memory_space<vmem>>)
        tpu.yield
      }) : () -> ()
      "tpu.region"() ({
        %run_scoped3A = tpu.sem_alloc : memref<!tpu.dma_semaphore, #tpu.memory_space<semaphore_mem>>
        %dma_start3A = tpu.memref_slice %arg2[%add3A_100, %add3A_79] : memref<100352x128xf32, #tpu.memory_space<hbm>> -> memref<128x16xf32, #tpu.memory_space<hbm>>
        %dma_start3A_102 = tpu.memref_slice %arg2[%add3A_100, %add3A_79] : memref<100352x128xf32, #tpu.memory_space<hbm>> -> memref<128x16xf32, #tpu.memory_space<hbm>>
        tpu.enqueue_dma source(%dma_start3A_102 : memref<128x16xf32, #tpu.memory_space<hbm>>) target(%arg6 : memref<128x16xf32, #tpu.memory_space<vmem>>) target_semaphore(%run_scoped3A : memref<!tpu.dma_semaphore, #tpu.memory_space<semaphore_mem>>)
        %dma_wait3A = tpu.memref_slice %arg2[%add3A_100, %add3A_79] : memref<100352x128xf32, #tpu.memory_space<hbm>> -> memref<128x16xf32, #tpu.memory_space<hbm>>
        %dma_wait3A_103 = tpu.memref_slice %arg2[%add3A_100, %add3A_79] : memref<100352x128xf32, #tpu.memory_space<hbm>> -> memref<128x16xf32, #tpu.memory_space<hbm>>
        tpu.wait_dma2 semaphore(%run_scoped3A : memref<!tpu.dma_semaphore, #tpu.memory_space<semaphore_mem>>) src(%dma_wait3A_103 : memref<128x16xf32, #tpu.memory_space<hbm>>) dst(%arg6 : memref<128x16xf32, #tpu.memory_space<vmem>>)
        tpu.yield
      }) : () -> ()
      "tpu.region"() ({
        %run_scoped3A = tpu.sem_alloc : memref<!tpu.dma_semaphore, #tpu.memory_space<semaphore_mem>>
        %dma_start3A = arith.constant 0 : i32
        %dma_start3A_102 = arith.constant 0 : i32
        %dma_start3A_103 = tpu.memref_slice %arg8[%dma_start3A, %dma_start3A_102] : memref<50176x16xf32, #tpu.memory_space<vmem_shared>> -> memref<50176x16xf32, #tpu.memory_space<vmem_shared>>
        tpu.enqueue_indirect_dma source(%arg6 : memref<128x16xf32, #tpu.memory_space<vmem>>) target(%dma_start3A_103 : memref<50176x16xf32, #tpu.memory_space<vmem_shared>>) offsets(%arg7 : memref<128xi32, #tpu.memory_space<vmem>>) semaphore(%run_scoped3A : memref<!tpu.dma_semaphore, #tpu.memory_space<semaphore_mem>>) {add = true}
        %dma_wait3A = arith.constant 0 : i32
        %dma_wait3A_104 = arith.constant 0 : i32
        %dma_wait3A_105 = tpu.memref_slice %arg8[%dma_wait3A, %dma_wait3A_104] : memref<50176x16xf32, #tpu.memory_space<vmem_shared>> -> memref<50176x16xf32, #tpu.memory_space<vmem_shared>>
        tpu.wait_indirect_dma semaphore(%run_scoped3A : memref<!tpu.dma_semaphore, #tpu.memory_space<semaphore_mem>>) src(%arg6 : memref<128x16xf32, #tpu.memory_space<vmem>>) dst(%dma_wait3A_105 : memref<50176x16xf32, #tpu.memory_space<vmem_shared>>)
        tpu.yield
      }) : () -> ()
      %scan3A_101 = arith.constant 0 : i32
      scf.yield %scan3A_101 : i32
    }
    %scan3A_85 = arith.constant 196 : i32
    %barrier3A_86 = arith.constant 0 : index
    tpu.barrier barrier_id(%barrier3A_86)
    %mul3A_87 = arith.constant 3136 : i32
    %mul3A_88 = arith.muli %arg1, %mul3A_87 : i32
    %mul3A_89 = arith.constant 3136 : i32
    %mul3A_90 = arith.muli %arg1, %mul3A_89 : i32
    "tpu.region"() ({
      %run_scoped3A = tpu.sem_alloc : memref<!tpu.dma_semaphore, #tpu.memory_space<semaphore_mem>>
      %dma_start3A = arith.constant 0 : i32
      %dma_start3A_91 = tpu.memref_slice %arg5[%arg0, %mul3A_90, %dma_start3A] : memref<2x50176x16xf32, #tpu.memory_space<hbm>> -> memref<1x3136x16xf32, #tpu.memory_space<hbm>>
      %dma_start3A_92 = tpu.memref_squeeze %dma_start3A_91 : memref<1x3136x16xf32, #tpu.memory_space<hbm>> -> memref<3136x16xf32, #tpu.memory_space<hbm>>
      %dma_start3A_93 = arith.constant 0 : i32
      %dma_start3A_94 = tpu.memref_slice %arg8[%mul3A_88, %dma_start3A_93] : memref<50176x16xf32, #tpu.memory_space<vmem_shared>> -> memref<3136x16xf32, #tpu.memory_space<vmem_shared>>
      tpu.enqueue_dma source(%dma_start3A_94 : memref<3136x16xf32, #tpu.memory_space<vmem_shared>>) target(%dma_start3A_92 : memref<3136x16xf32, #tpu.memory_space<hbm>>) target_semaphore(%run_scoped3A : memref<!tpu.dma_semaphore, #tpu.memory_space<semaphore_mem>>)
      %dma_wait3A = arith.constant 0 : i32
      %dma_wait3A_95 = tpu.memref_slice %arg5[%arg0, %mul3A_90, %dma_wait3A] : memref<2x50176x16xf32, #tpu.memory_space<hbm>> -> memref<1x3136x16xf32, #tpu.memory_space<hbm>>
      %dma_wait3A_96 = tpu.memref_squeeze %dma_wait3A_95 : memref<1x3136x16xf32, #tpu.memory_space<hbm>> -> memref<3136x16xf32, #tpu.memory_space<hbm>>
      %dma_wait3A_97 = arith.constant 0 : i32
      %dma_wait3A_98 = tpu.memref_slice %arg8[%mul3A_88, %dma_wait3A_97] : memref<50176x16xf32, #tpu.memory_space<vmem_shared>> -> memref<3136x16xf32, #tpu.memory_space<vmem_shared>>
      tpu.wait_dma2 semaphore(%run_scoped3A : memref<!tpu.dma_semaphore, #tpu.memory_space<semaphore_mem>>) src(%dma_wait3A_98 : memref<3136x16xf32, #tpu.memory_space<vmem_shared>>) dst(%dma_wait3A_96 : memref<3136x16xf32, #tpu.memory_space<hbm>>)
      tpu.yield
    }) : () -> ()
    return
  }
}

module attributes {stable_mosaic.version = 14 : i64} {
  func.func @_mlp_body(%arg0: i32, %arg1: memref<2048x128xf32, #tpu.memory_space<vmem>>, %arg2: memref<2048x128xf32, #tpu.memory_space<vmem>>, %arg3: memref<2048x128xf32, #tpu.memory_space<vmem>>, %arg4: memref<128x256xf32, #tpu.memory_space<vmem>>, %arg5: memref<1x256xf32, #tpu.memory_space<vmem>>, %arg6: memref<256x256xf32, #tpu.memory_space<vmem>>, %arg7: memref<1x256xf32, #tpu.memory_space<vmem>>, %arg8: memref<256x64xf32, #tpu.memory_space<vmem>>, %arg9: memref<1x64xf32, #tpu.memory_space<vmem>>, %arg10: memref<2048x128xf32, #tpu.memory_space<vmem>>) attributes {dimension_semantics = [#tpu.dimension_semantics<arbitrary>], iteration_bounds = array<i64: 49>, scalar_prefetch = 0 : i64, scratch_operands = 0 : i64, tpu.core_type = #tpu.core_type<tc>, window_params = [{transform_indices = @transform_0, window_bounds = array<i64: 2048, 128>}, {transform_indices = @transform_1, window_bounds = array<i64: 2048, 128>}, {transform_indices = @transform_2, window_bounds = array<i64: 2048, 128>}, {pipeline_mode = #tpu.pipeline_mode<synchronous>, transform_indices = @transform_3, window_bounds = array<i64: 128, 256>}, {pipeline_mode = #tpu.pipeline_mode<synchronous>, transform_indices = @transform_4, window_bounds = array<i64: 1, 256>}, {pipeline_mode = #tpu.pipeline_mode<synchronous>, transform_indices = @transform_5, window_bounds = array<i64: 256, 256>}, {pipeline_mode = #tpu.pipeline_mode<synchronous>, transform_indices = @transform_6, window_bounds = array<i64: 1, 256>}, {pipeline_mode = #tpu.pipeline_mode<synchronous>, transform_indices = @transform_7, window_bounds = array<i64: 256, 64>}, {pipeline_mode = #tpu.pipeline_mode<synchronous>, transform_indices = @transform_8, window_bounds = array<i64: 1, 64>}, {transform_indices = @transform_9, window_bounds = array<i64: 2048, 128>}]} {
    %get3A = arith.constant 0 : index
    %get3A_0 = arith.constant 0 : index
    %get3A_1 = vector.load %arg1[%get3A, %get3A_0] : memref<2048x128xf32, #tpu.memory_space<vmem>>, vector<2048x128xf32>
    %get3A_2 = arith.constant 0 : index
    %get3A_3 = arith.constant 0 : index
    %get3A_4 = vector.load %arg4[%get3A_2, %get3A_3] : memref<128x256xf32, #tpu.memory_space<vmem>>, vector<128x256xf32>
    %dot_general3A = arith.constant dense<0.000000e+00> : vector<2048x256xf32>
    %dot_general3A_5 = tpu.matmul %get3A_1, %get3A_4, %dot_general3A {dimension_numbers = #tpu.dot_dimension_numbers<[1], [0], [0], [1], [0, 0, 1, 1], [], []>, transpose_lhs_hint = false} : vector<2048x128xf32>, vector<128x256xf32>, vector<2048x256xf32> -> vector<2048x256xf32>
    %get3A_6 = arith.constant 0 : index
    %get3A_7 = arith.constant 0 : index
    %get3A_8 = vector.load %arg5[%get3A_6, %get3A_7] : memref<1x256xf32, #tpu.memory_space<vmem>>, vector<1x256xf32>
    %add3A = vector.broadcast %get3A_8 : vector<1x256xf32> to vector<2048x256xf32>
    %add3A_9 = arith.addf %dot_general3A_5, %add3A : vector<2048x256xf32>
    %integer_pow3A = arith.mulf %add3A_9, %add3A_9 : vector<2048x256xf32>
    %integer_pow3A_10 = arith.mulf %add3A_9, %integer_pow3A : vector<2048x256xf32>
    %mul3A = arith.constant 4.471500e-02 : f32
    %mul3A_11 = vector.broadcast %mul3A : f32 to vector<2048x256xf32>
    %mul3A_12 = arith.mulf %mul3A_11, %integer_pow3A_10 : vector<2048x256xf32>
    %add3A_13 = arith.addf %add3A_9, %mul3A_12 : vector<2048x256xf32>
    %mul3A_14 = arith.constant 0.797884583 : f32
    %mul3A_15 = vector.broadcast %mul3A_14 : f32 to vector<2048x256xf32>
    %mul3A_16 = arith.mulf %mul3A_15, %add3A_13 : vector<2048x256xf32>
    %tanh3A = math.tanh %mul3A_16 : vector<2048x256xf32>
    %add3A_17 = arith.constant 1.000000e+00 : f32
    %add3A_18 = vector.broadcast %add3A_17 : f32 to vector<2048x256xf32>
    %add3A_19 = arith.addf %add3A_18, %tanh3A : vector<2048x256xf32>
    %mul3A_20 = arith.constant 5.000000e-01 : f32
    %mul3A_21 = vector.broadcast %mul3A_20 : f32 to vector<2048x256xf32>
    %mul3A_22 = arith.mulf %mul3A_21, %add3A_19 : vector<2048x256xf32>
    %mul3A_23 = arith.mulf %add3A_9, %mul3A_22 : vector<2048x256xf32>
    %get3A_24 = arith.constant 0 : index
    %get3A_25 = arith.constant 0 : index
    %get3A_26 = vector.load %arg6[%get3A_24, %get3A_25] : memref<256x256xf32, #tpu.memory_space<vmem>>, vector<256x256xf32>
    %dot_general3A_27 = arith.constant dense<0.000000e+00> : vector<2048x256xf32>
    %dot_general3A_28 = tpu.matmul %mul3A_23, %get3A_26, %dot_general3A_27 {dimension_numbers = #tpu.dot_dimension_numbers<[1], [0], [0], [1], [0, 0, 1, 1], [], []>, transpose_lhs_hint = false} : vector<2048x256xf32>, vector<256x256xf32>, vector<2048x256xf32> -> vector<2048x256xf32>
    %get3A_29 = arith.constant 0 : index
    %get3A_30 = arith.constant 0 : index
    %get3A_31 = vector.load %arg7[%get3A_29, %get3A_30] : memref<1x256xf32, #tpu.memory_space<vmem>>, vector<1x256xf32>
    %add3A_32 = vector.broadcast %get3A_31 : vector<1x256xf32> to vector<2048x256xf32>
    %add3A_33 = arith.addf %dot_general3A_28, %add3A_32 : vector<2048x256xf32>
    %integer_pow3A_34 = arith.mulf %add3A_33, %add3A_33 : vector<2048x256xf32>
    %integer_pow3A_35 = arith.mulf %add3A_33, %integer_pow3A_34 : vector<2048x256xf32>
    %mul3A_36 = arith.constant 4.471500e-02 : f32
    %mul3A_37 = vector.broadcast %mul3A_36 : f32 to vector<2048x256xf32>
    %mul3A_38 = arith.mulf %mul3A_37, %integer_pow3A_35 : vector<2048x256xf32>
    %add3A_39 = arith.addf %add3A_33, %mul3A_38 : vector<2048x256xf32>
    %mul3A_40 = arith.constant 0.797884583 : f32
    %mul3A_41 = vector.broadcast %mul3A_40 : f32 to vector<2048x256xf32>
    %mul3A_42 = arith.mulf %mul3A_41, %add3A_39 : vector<2048x256xf32>
    %tanh3A_43 = math.tanh %mul3A_42 : vector<2048x256xf32>
    %add3A_44 = arith.constant 1.000000e+00 : f32
    %add3A_45 = vector.broadcast %add3A_44 : f32 to vector<2048x256xf32>
    %add3A_46 = arith.addf %add3A_45, %tanh3A_43 : vector<2048x256xf32>
    %mul3A_47 = arith.constant 5.000000e-01 : f32
    %mul3A_48 = vector.broadcast %mul3A_47 : f32 to vector<2048x256xf32>
    %mul3A_49 = arith.mulf %mul3A_48, %add3A_46 : vector<2048x256xf32>
    %mul3A_50 = arith.mulf %add3A_33, %mul3A_49 : vector<2048x256xf32>
    %get3A_51 = arith.constant 0 : index
    %get3A_52 = arith.constant 0 : index
    %get3A_53 = vector.load %arg8[%get3A_51, %get3A_52] : memref<256x64xf32, #tpu.memory_space<vmem>>, vector<256x64xf32>
    %dot_general3A_54 = arith.constant dense<0.000000e+00> : vector<2048x64xf32>
    %dot_general3A_55 = tpu.matmul %mul3A_50, %get3A_53, %dot_general3A_54 {dimension_numbers = #tpu.dot_dimension_numbers<[1], [0], [0], [1], [0, 0, 1, 1], [], []>, transpose_lhs_hint = false} : vector<2048x256xf32>, vector<256x64xf32>, vector<2048x64xf32> -> vector<2048x64xf32>
    %get3A_56 = arith.constant 0 : index
    %get3A_57 = arith.constant 0 : index
    %get3A_58 = vector.load %arg9[%get3A_56, %get3A_57] : memref<1x64xf32, #tpu.memory_space<vmem>>, vector<1x64xf32>
    %add3A_59 = vector.broadcast %get3A_58 : vector<1x64xf32> to vector<2048x64xf32>
    %add3A_60 = arith.addf %dot_general3A_55, %add3A_59 : vector<2048x64xf32>
    %get3A_61 = arith.constant 0 : index
    %get3A_62 = arith.constant 0 : index
    %get3A_63 = vector.load %arg2[%get3A_61, %get3A_62] : memref<2048x128xf32, #tpu.memory_space<vmem>>, vector<2048x128xf32>
    %get3A_64 = arith.constant 0 : index
    %get3A_65 = arith.constant 0 : index
    %get3A_66 = vector.load %arg4[%get3A_64, %get3A_65] : memref<128x256xf32, #tpu.memory_space<vmem>>, vector<128x256xf32>
    %dot_general3A_67 = arith.constant dense<0.000000e+00> : vector<2048x256xf32>
    %dot_general3A_68 = tpu.matmul %get3A_63, %get3A_66, %dot_general3A_67 {dimension_numbers = #tpu.dot_dimension_numbers<[1], [0], [0], [1], [0, 0, 1, 1], [], []>, transpose_lhs_hint = false} : vector<2048x128xf32>, vector<128x256xf32>, vector<2048x256xf32> -> vector<2048x256xf32>
    %get3A_69 = arith.constant 0 : index
    %get3A_70 = arith.constant 0 : index
    %get3A_71 = vector.load %arg5[%get3A_69, %get3A_70] : memref<1x256xf32, #tpu.memory_space<vmem>>, vector<1x256xf32>
    %add3A_72 = vector.broadcast %get3A_71 : vector<1x256xf32> to vector<2048x256xf32>
    %add3A_73 = arith.addf %dot_general3A_68, %add3A_72 : vector<2048x256xf32>
    %integer_pow3A_74 = arith.mulf %add3A_73, %add3A_73 : vector<2048x256xf32>
    %integer_pow3A_75 = arith.mulf %add3A_73, %integer_pow3A_74 : vector<2048x256xf32>
    %mul3A_76 = arith.constant 4.471500e-02 : f32
    %mul3A_77 = vector.broadcast %mul3A_76 : f32 to vector<2048x256xf32>
    %mul3A_78 = arith.mulf %mul3A_77, %integer_pow3A_75 : vector<2048x256xf32>
    %add3A_79 = arith.addf %add3A_73, %mul3A_78 : vector<2048x256xf32>
    %mul3A_80 = arith.constant 0.797884583 : f32
    %mul3A_81 = vector.broadcast %mul3A_80 : f32 to vector<2048x256xf32>
    %mul3A_82 = arith.mulf %mul3A_81, %add3A_79 : vector<2048x256xf32>
    %tanh3A_83 = math.tanh %mul3A_82 : vector<2048x256xf32>
    %add3A_84 = arith.constant 1.000000e+00 : f32
    %add3A_85 = vector.broadcast %add3A_84 : f32 to vector<2048x256xf32>
    %add3A_86 = arith.addf %add3A_85, %tanh3A_83 : vector<2048x256xf32>
    %mul3A_87 = arith.constant 5.000000e-01 : f32
    %mul3A_88 = vector.broadcast %mul3A_87 : f32 to vector<2048x256xf32>
    %mul3A_89 = arith.mulf %mul3A_88, %add3A_86 : vector<2048x256xf32>
    %mul3A_90 = arith.mulf %add3A_73, %mul3A_89 : vector<2048x256xf32>
    %get3A_91 = arith.constant 0 : index
    %get3A_92 = arith.constant 0 : index
    %get3A_93 = vector.load %arg6[%get3A_91, %get3A_92] : memref<256x256xf32, #tpu.memory_space<vmem>>, vector<256x256xf32>
    %dot_general3A_94 = arith.constant dense<0.000000e+00> : vector<2048x256xf32>
    %dot_general3A_95 = tpu.matmul %mul3A_90, %get3A_93, %dot_general3A_94 {dimension_numbers = #tpu.dot_dimension_numbers<[1], [0], [0], [1], [0, 0, 1, 1], [], []>, transpose_lhs_hint = false} : vector<2048x256xf32>, vector<256x256xf32>, vector<2048x256xf32> -> vector<2048x256xf32>
    %get3A_96 = arith.constant 0 : index
    %get3A_97 = arith.constant 0 : index
    %get3A_98 = vector.load %arg7[%get3A_96, %get3A_97] : memref<1x256xf32, #tpu.memory_space<vmem>>, vector<1x256xf32>
    %add3A_99 = vector.broadcast %get3A_98 : vector<1x256xf32> to vector<2048x256xf32>
    %add3A_100 = arith.addf %dot_general3A_95, %add3A_99 : vector<2048x256xf32>
    %integer_pow3A_101 = arith.mulf %add3A_100, %add3A_100 : vector<2048x256xf32>
    %integer_pow3A_102 = arith.mulf %add3A_100, %integer_pow3A_101 : vector<2048x256xf32>
    %mul3A_103 = arith.constant 4.471500e-02 : f32
    %mul3A_104 = vector.broadcast %mul3A_103 : f32 to vector<2048x256xf32>
    %mul3A_105 = arith.mulf %mul3A_104, %integer_pow3A_102 : vector<2048x256xf32>
    %add3A_106 = arith.addf %add3A_100, %mul3A_105 : vector<2048x256xf32>
    %mul3A_107 = arith.constant 0.797884583 : f32
    %mul3A_108 = vector.broadcast %mul3A_107 : f32 to vector<2048x256xf32>
    %mul3A_109 = arith.mulf %mul3A_108, %add3A_106 : vector<2048x256xf32>
    %tanh3A_110 = math.tanh %mul3A_109 : vector<2048x256xf32>
    %add3A_111 = arith.constant 1.000000e+00 : f32
    %add3A_112 = vector.broadcast %add3A_111 : f32 to vector<2048x256xf32>
    %add3A_113 = arith.addf %add3A_112, %tanh3A_110 : vector<2048x256xf32>
    %mul3A_114 = arith.constant 5.000000e-01 : f32
    %mul3A_115 = vector.broadcast %mul3A_114 : f32 to vector<2048x256xf32>
    %mul3A_116 = arith.mulf %mul3A_115, %add3A_113 : vector<2048x256xf32>
    %mul3A_117 = arith.mulf %add3A_100, %mul3A_116 : vector<2048x256xf32>
    %get3A_118 = arith.constant 0 : index
    %get3A_119 = arith.constant 0 : index
    %get3A_120 = vector.load %arg8[%get3A_118, %get3A_119] : memref<256x64xf32, #tpu.memory_space<vmem>>, vector<256x64xf32>
    %dot_general3A_121 = arith.constant dense<0.000000e+00> : vector<2048x64xf32>
    %dot_general3A_122 = tpu.matmul %mul3A_117, %get3A_120, %dot_general3A_121 {dimension_numbers = #tpu.dot_dimension_numbers<[1], [0], [0], [1], [0, 0, 1, 1], [], []>, transpose_lhs_hint = false} : vector<2048x256xf32>, vector<256x64xf32>, vector<2048x64xf32> -> vector<2048x64xf32>
    %get3A_123 = arith.constant 0 : index
    %get3A_124 = arith.constant 0 : index
    %get3A_125 = vector.load %arg9[%get3A_123, %get3A_124] : memref<1x64xf32, #tpu.memory_space<vmem>>, vector<1x64xf32>
    %add3A_126 = vector.broadcast %get3A_125 : vector<1x64xf32> to vector<2048x64xf32>
    %add3A_127 = arith.addf %dot_general3A_122, %add3A_126 : vector<2048x64xf32>
    %concatenate3A = tpu.concatenate %add3A_60, %add3A_127 in 1 : vector<2048x64xf32>, vector<2048x64xf32> -> vector<2048x128xf32>
    %get3A_128 = arith.constant 0 : index
    %get3A_129 = arith.constant 0 : index
    %get3A_130 = vector.load %arg3[%get3A_128, %get3A_129] : memref<2048x128xf32, #tpu.memory_space<vmem>>, vector<2048x128xf32>
    %mul3A_131 = arith.mulf %concatenate3A, %get3A_130 : vector<2048x128xf32>
    %swap3A = arith.constant 0 : index
    %swap3A_132 = arith.constant 0 : index
    %swap3A_133 = vector.load %arg10[%swap3A, %swap3A_132] : memref<2048x128xf32, #tpu.memory_space<vmem>>, vector<2048x128xf32>
    tpu.vector_store %arg10[%swap3A, %swap3A_132], %mul3A_131 {strides = array<i32>} : memref<2048x128xf32, #tpu.memory_space<vmem>>, vector<2048x128xf32>,
    return
  }
  func.func @transform_0(%arg0: i32) -> (i32, i32) {
    %c0_i32 = arith.constant 0 : i32
    %c0_i32_0 = arith.constant 0 : i32
    return %arg0, %c0_i32 : i32, i32
  }
  func.func @transform_1(%arg0: i32) -> (i32, i32) {
    %add3A = arith.constant 49 : i32
    %add3A_0 = arith.addi %arg0, %add3A : i32
    %c0_i32 = arith.constant 0 : i32
    %c0_i32_1 = arith.constant 0 : i32
    return %add3A_0, %c0_i32 : i32, i32
  }
  func.func @transform_2(%arg0: i32) -> (i32, i32) {
    %c0_i32 = arith.constant 0 : i32
    %c0_i32_0 = arith.constant 0 : i32
    return %arg0, %c0_i32 : i32, i32
  }
  func.func @transform_3(%arg0: i32) -> (i32, i32) {
    %c0_i32 = arith.constant 0 : i32
    %c0_i32_0 = arith.constant 0 : i32
    %c0_i32_1 = arith.constant 0 : i32
    return %c0_i32, %c0_i32_0 : i32, i32
  }
  func.func @transform_4(%arg0: i32) -> (i32, i32) {
    %c0_i32 = arith.constant 0 : i32
    %c0_i32_0 = arith.constant 0 : i32
    %c0_i32_1 = arith.constant 0 : i32
    return %c0_i32, %c0_i32_0 : i32, i32
  }
  func.func @transform_5(%arg0: i32) -> (i32, i32) {
    %c0_i32 = arith.constant 0 : i32
    %c0_i32_0 = arith.constant 0 : i32
    %c0_i32_1 = arith.constant 0 : i32
    return %c0_i32, %c0_i32_0 : i32, i32
  }
  func.func @transform_6(%arg0: i32) -> (i32, i32) {
    %c0_i32 = arith.constant 0 : i32
    %c0_i32_0 = arith.constant 0 : i32
    %c0_i32_1 = arith.constant 0 : i32
    return %c0_i32, %c0_i32_0 : i32, i32
  }
  func.func @transform_7(%arg0: i32) -> (i32, i32) {
    %c0_i32 = arith.constant 0 : i32
    %c0_i32_0 = arith.constant 0 : i32
    %c0_i32_1 = arith.constant 0 : i32
    return %c0_i32, %c0_i32_0 : i32, i32
  }
  func.func @transform_8(%arg0: i32) -> (i32, i32) {
    %c0_i32 = arith.constant 0 : i32
    %c0_i32_0 = arith.constant 0 : i32
    %c0_i32_1 = arith.constant 0 : i32
    return %c0_i32, %c0_i32_0 : i32, i32
  }
  func.func @transform_9(%arg0: i32) -> (i32, i32) {
    %c0_i32 = arith.constant 0 : i32
    %c0_i32_0 = arith.constant 0 : i32
    return %arg0, %c0_i32 : i32, i32
  }
}

module attributes {stable_mosaic.version = 14 : i64} {
  func.func @_combine_body(%arg0: i32, %arg1: memref<1x5000x16xf32, #tpu.memory_space<vmem>>, %arg2: memref<1x5000x16xf32, #tpu.memory_space<vmem>>, %arg3: memref<5000x1xf32, #tpu.memory_space<vmem>>, %arg4: memref<5000x16xf32, #tpu.memory_space<vmem>>) attributes {dimension_semantics = [#tpu.dimension_semantics<arbitrary>], iteration_bounds = array<i64: 10>, scalar_prefetch = 0 : i64, scratch_operands = 0 : i64, tpu.core_type = #tpu.core_type<tc>, window_params = [{transform_indices = @transform_0, window_bounds = array<i64: 1, 5000, 16>}, {transform_indices = @transform_1, window_bounds = array<i64: 1, 5000, 16>}, {transform_indices = @transform_2, window_bounds = array<i64: 5000, 1>}, {transform_indices = @transform_3, window_bounds = array<i64: 5000, 16>}]} {
    %get3A = arith.constant 0 : index
    %get3A_0 = arith.constant 0 : index
    %get3A_1 = vector.load %arg3[%get3A, %get3A_0] : memref<5000x1xf32, #tpu.memory_space<vmem>>, vector<5000x1xf32>
    %max3A = arith.constant 1.000000e+00 : f32
    %max3A_2 = vector.broadcast %max3A : f32 to vector<5000x1xf32>
    %max3A_3 = arith.maximumf %get3A_1, %max3A_2 : vector<5000x1xf32>
    %div3A = arith.constant 1.000000e+00 : f32
    %div3A_4 = vector.broadcast %div3A : f32 to vector<5000x1xf32>
    %div3A_5 = arith.divf %div3A_4, %max3A_3 : vector<5000x1xf32>
    %get3A_6 = arith.constant 0 : index
    %get3A_7 = arith.constant 0 : index
    %get3A_8 = arith.constant 0 : index
    %get3A_9 = vector.load %arg1[%get3A_6, %get3A_7, %get3A_8] : memref<1x5000x16xf32, #tpu.memory_space<vmem>>, vector<1x5000x16xf32>
    %get3A_10 = vector.shape_cast %get3A_9 : vector<1x5000x16xf32> to vector<5000x16xf32>
    %get3A_11 = arith.constant 0 : index
    %get3A_12 = arith.constant 0 : index
    %get3A_13 = arith.constant 0 : index
    %get3A_14 = vector.load %arg2[%get3A_11, %get3A_12, %get3A_13] : memref<1x5000x16xf32, #tpu.memory_space<vmem>>, vector<1x5000x16xf32>
    %get3A_15 = vector.shape_cast %get3A_14 : vector<1x5000x16xf32> to vector<5000x16xf32>
    %add3A = arith.addf %get3A_10, %get3A_15 : vector<5000x16xf32>
    %mul3A = vector.broadcast %div3A_5 : vector<5000x1xf32> to vector<5000x16xf32>
    %mul3A_16 = arith.mulf %add3A, %mul3A : vector<5000x16xf32>
    %swap3A = arith.constant 0 : index
    %swap3A_17 = arith.constant 0 : index
    %swap3A_18 = vector.load %arg4[%swap3A, %swap3A_17] : memref<5000x16xf32, #tpu.memory_space<vmem>>, vector<5000x16xf32>
    tpu.vector_store %arg4[%swap3A, %swap3A_17], %mul3A_16 {strides = array<i32>} : memref<5000x16xf32, #tpu.memory_space<vmem>>, vector<5000x16xf32>,
    return
  }
  func.func @transform_0(%arg0: i32) -> (i32, i32, i32) {
    %c0_i32 = arith.constant 0 : i32
    %c0_i32_0 = arith.constant 0 : i32
    %c0_i32_1 = arith.constant 0 : i32
    return %c0_i32, %arg0, %c0_i32_0 : i32, i32, i32
  }
  func.func @transform_1(%arg0: i32) -> (i32, i32, i32) {
    %c1_i32 = arith.constant 1 : i32
    %c0_i32 = arith.constant 0 : i32
    %c0_i32_0 = arith.constant 0 : i32
    return %c1_i32, %arg0, %c0_i32 : i32, i32, i32
  }
  func.func @transform_2(%arg0: i32) -> (i32, i32) {
    %c0_i32 = arith.constant 0 : i32
    %c0_i32_0 = arith.constant 0 : i32
    return %arg0, %c0_i32 : i32, i32
  }
  func.func @transform_3(%arg0: i32) -> (i32, i32) {
    %c0_i32 = arith.constant 0 : i32
    %c0_i32_0 = arith.constant 0 : i32
    return %arg0, %c0_i32 : i32, i32
  }
}

</mosaic_0001>

<sc_bundles>
// kernel: kernel.6.cloned.1.call-start
scs
__scs_entry_jumppad:
0x0: {  	(pc) =	sbr.rel $0x88, $3  }
0x1: {  	(tag) =	ssettag $0x0;
	lr =	simm.s32 $0x1  }
0x2: {  	[smem:$0x3F97] =	sst lr;
	_ =	strace $0xD0000000  }
0x3: {  	_ = 	snop  }
0x4: {  	_ = 	snop  }
0x5: {  	_ = 	snop  }
0x6: {  	_ = 	snop  }
0x7: {  	_ = 	snop  }
__scs_overlays_trampoline_lowered:
0x8: {  	[smem:$0x3FA6] =	sst s0  }
0x9: {  	[smem:$0x3FA7] =	sst s1  }
0xa: {  	[smem:$0x3FA8] =	sst s2  }
0xb: {  	[smem:$0x3FA9] =	sst s3  }
0xc: {  	[smem:$0x3FAA] =	sst s4  }
0xd: {  	[smem:$0x3FAB] =	sst s5  }
0xe: {  	[smem:$0x3FAC] =	sst s6  }
0xf: {  	[smem:$0x3FAD] =	sst s7  }
0x10: {  	[smem:$0x3FAE] =	sst s8  }
0x11: {  	[smem:$0x3FAF] =	sst s9;
	s0 =	simm.s32 @!p0 $0x0  }
0x12: {  	s1 =	sld [smem:$0x3F95];
	s0 =	simm.s32 @p0 $0x1  }
0x13: {  	[smem:$0x3FB0] =	sst s0;
	s0 =	simm.s32 @!p1 $0x0  }
0x14: {  	s2 =	sld [smem:$0x3F94];
	s0 =	simm.s32 @p1 $0x1  }
0x15: {  	[smem:$0x3FB1] =	sst s0;
	s0 =	simm.s32 @!p2 $0x0  }
0x16: {  	s3 =	sld [smem:$0x3FDB];
	s0 =	simm.s32 @p2 $0x1  }
0x17: {  	s4 =	simm.s32 $0x1BF5;
	[smem:$0x3FB3] =	sst s0  }
0x18: {  	s0 =	sld [smem:$0x3F96];
	_ =	swait.ge [sflag:s4], $0x0  }
0x19: {  	s7 =	sld [smem:$0x3F97]  }
0x1a: {  	s8 =	sadd.s32 $0xFFFFE003, lr  }
0x1b: {  	s9 =	sadd.s32 $0xFFFFFEF7, lr;
	s5 =	simm.s32 $0xFFFFFFFF;
	p2 =	slt.u32 s8, $0xFFFFF086  }
0x1c: {  	p1 =	slt.u32 s9, $0xF7A;
	s5 =	simm.s32 @!p2 $0x0  }
0x1d: {  	s5 =	simm.s32 @p1 $0x1;
	p0 =	seq.s32 s7, s2  }
0x1e: {  	s7 =	smul.u32 @!p0 $0xF7A, s2;
	p2 =	seq.s32 @!p0 s5, $0x0  }
0x1f: {  	s9 =	smul.u32 $0xF7A, s1;
	s8 =	simm.s32 @!p0 $0x1BF5;
	p2 =	por !p2, p0  }
0x20: {  	[sflag:s8] =	ssyncset.s32 @!p0 $0xFFFFF086;
	s6 =	sadd.s32 @!p0 s3, s7;
	s7 =	simm.s32 @!p0 $0x108  }
0x21: {  	s3 =	sadd.s32 s3, s9;
	s6 =	sadd.s32 @!p0 $0x88, s6;
	s7 =	simm.s32 @p2 $0x1082  }
0x22: {  	[simem:s7], [sflag:s8] =	dma.local @!p0 [hbm:s6], $0xF7A  }
0x23: {  	s9 =	sor.u32 $0xD0000000, s2;
	s6 =	simm.s32 $0x108;
	_ =	swait.ge @!p0 [sflag:s8], $0x0  }
0x24: {  	s3 =	sadd.s32 $0x88, s3;
	s6 =	simm.s32 @!p1 $0x1082;
	[sflag:s4] =	ssyncset.s32 $0xFFFFF086  }
0x25: {  	[simem:s6], [sflag:s4] =	dma.local [hbm:s3], $0xF7A  }
0x26: {  	[smem:$0x3F97] =	sst s1;
	(tag) =	ssettag s2;
	_ =	strace s9  }
0x27: {  	s1 =	sld [smem:$0x3FA7]  }
0x28: {  	s2 =	sld [smem:$0x3FA8]  }
0x29: {  	s4 =	sld [smem:$0x3FAA]  }
0x2a: {  	p0 =	seq.s32 s5, $0x0;
	s5 =	sld [smem:$0x3FAB]  }
0x2b: {  	s6 =	sld [smem:$0x3FAC]  }
0x2c: {  	s7 =	sld [smem:$0x3FAD]  }
0x2d: {  	s3 =	simm.s32 $0x108;
	s8 =	sld [smem:$0x3FAE]  }
0x2e: {  	s3 =	simm.s32 @!p0 $0x1082;
	s9 =	sld [smem:$0x3FAF]  }
0x2f: {  	lr =	sadd.s32 s0, s3;
	s0 =	sld [smem:$0x3FA6]  }
0x30: {  	s3 =	sld [smem:$0x3FA9]  }
0x31: {  	[smem:$0x3FB2] =	sst s10  }
0x32: {  	s10 =	sld [smem:$0x3FB0];
	_ =	sdelay $0x3  }
0x33: {  	p0 =	seq.s32 s10, $0x1;
	s10 =	sld [smem:$0x3FB2];
	_ =	sdelay $0x3  }
0x34: {  	[smem:$0x3FB2] =	sst s10  }
0x35: {  	s10 =	sld [smem:$0x3FB1];
	_ =	sdelay $0x3  }
0x36: {  	p1 =	seq.s32 s10, $0x1;
	s10 =	sld [smem:$0x3FB2];
	_ =	sdelay $0x3  }
0x37: {  	[smem:$0x3FB2] =	sst s10  }
0x38: {  	s10 =	sld [smem:$0x3FB3]  }
0x39: {  	_ = 	snop;
	(pc) =	sbr.ind lr, $3  }
0x3a: {  	_ = 	snop  }
0x3b: {  	_ = 	snop  }
0x3c: {  	p2 =	seq.s32 s10, $0x1;
	s10 =	sld [smem:$0x3FB2]  }
0x3d: {  	_ =	shalt  }
0x3e: {  	_ =	shalt  }
0x3f: {  	_ =	shalt  }
0x40: {  	_ =	shalt  }
0x41: {  	_ =	shalt  }
0x42: {  	_ =	shalt  }
0x43: {  	_ =	shalt  }
0x44: {  	_ =	shalt  }
0x45: {  	_ =	shalt  }
0x46: {  	_ =	shalt  }
0x47: {  	_ =	shalt  }
0x48: {  	_ =	shalt  }
0x49: {  	_ =	shalt  }
0x4a: {  	_ =	shalt  }
0x4b: {  	_ =	shalt  }
0x4c: {  	_ =	shalt  }
0x4d: {  	_ =	shalt  }
0x4e: {  	_ =	shalt  }
0x4f: {  	_ =	shalt  }
0x50: {  	_ =	shalt  }
0x51: {  	_ =	shalt  }
0x52: {  	_ =	shalt  }
0x53: {  	_ =	shalt  }
0x54: {  	_ =	shalt  }
0x55: {  	_ =	shalt  }
0x56: {  	_ =	shalt  }
0x57: {  	_ =	shalt  }
0x58: {  	_ =	shalt  }
0x59: {  	_ =	shalt  }
0x5a: {  	_ =	shalt  }
0x5b: {  	_ =	shalt  }
0x5c: {  	_ =	shalt  }
0x5d: {  	_ =	shalt  }
0x5e: {  	_ =	shalt  }
0x5f: {  	_ =	shalt  }
0x60: {  	_ =	shalt  }
0x61: {  	_ =	shalt  }
0x62: {  	_ =	shalt  }
0x63: {  	_ =	shalt  }
0x64: {  	_ =	shalt  }
0x65: {  	_ =	shalt  }
0x66: {  	_ =	shalt  }
0x67: {  	_ =	shalt  }
0x68: {  	_ =	shalt  }
0x69: {  	_ =	shalt  }
0x6a: {  	_ =	shalt  }
0x6b: {  	_ =	shalt  }
0x6c: {  	_ =	shalt  }
0x6d: {  	_ =	shalt  }
0x6e: {  	_ =	shalt  }
0x6f: {  	_ =	shalt  }
0x70: {  	_ =	shalt  }
0x71: {  	_ =	shalt  }
0x72: {  	_ =	shalt  }
0x73: {  	_ =	shalt  }
0x74: {  	_ =	shalt  }
0x75: {  	_ =	shalt  }
0x76: {  	_ =	shalt  }
0x77: {  	_ =	shalt  }
0x78: {  	_ =	shalt  }
0x79: {  	_ =	shalt  }
0x7a: {  	_ =	shalt  }
0x7b: {  	_ =	shalt  }
0x7c: {  	_ =	shalt  }
0x7d: {  	_ =	shalt  }
0x7e: {  	_ =	shalt  }
0x7f: {  	_ =	shalt  }
0x80: {  	_ =	shalt  }
0x81: {  	_ =	shalt  }
0x82: {  	_ =	shalt  }
0x83: {  	_ =	shalt  }
0x84: {  	_ =	shalt  }
0x85: {  	_ =	shalt  }
0x86: {  	_ =	shalt  }
0x87: {  	_ =	shalt  }
.Lfunc_end0:
.L_simem_size_0:
called_computation_lowered:
.L_overlay_start_0:
0x88: {  	s2 =	sld [smem:$0x3FD9]  }
0x89: {  	s3 =	sld [smem:$0x3FFE];
	_ =	sdelay $0x1  }
0x8a: {  	s1 =	srdreg.scid  }
0x8b: {  	s0 =	sand.u32 $0x1, s1  }
0x8c: {  	s16 =	sshll.u32 s0, $0xA;
	s2 =	sadd.s32 s3, s2  }
0x8d: {  	s2 =	sadd.s32 s2, s16  }
0x8e: {  	[smem:$0x3FBE] =	sst s2  }
0x8f: {  	_ = 	snop  }
0x90: {  	(tm) =	ssettm $0x1  }
0x91: {  	s17 =	sld [smem:$0x3FFB];
	_ =	sdelay $0x3  }
0x92: {  	_ =	strace s17  }
0x93: {  	s2 =	sld [smem:$0x3FFC];
	_ =	sdelay $0x3  }
0x94: {  	_ =	strace s2  }
0x95: {  	s2 =	sld [smem:$0x3FFD];
	_ =	sdelay $0x3  }
0x96: {  	_ =	strace s2  }
0x97: {  	_ =	strace $0x8FFFFFFF  }
0x98: {  	s18 =	sld [smem:$0x3FDB];
	_ =	sdelay $0x1  }
0x99: {  	s19 =	simm.s32 $_scs_section_size  }
0x9a: {  	s4 =	simm.s32 $_size__tile_overlayer_lowered;
	s5 =	simm.s32 $_tile_overlayer_lowered  }
0x9b: {  	s22 =	simm.s32 $0x1BFF;
	s21 =	sshll.u32 s5, $0x1;
	s2 =	sadd.s32 s19, s18  }
0x9c: {  	s6 =	simm.s32 $0x0;
	s20 =	sshll.u32 s4, $0x1;
	s4 =	sadd.s32 s21, s2  }
0x9d: {  	[timem:s6], [sflag:s22] =	dma.local [hbm:s4], s20  }
0x9e: {  	_ =	swait.ge [sflag:s22], s20  }
0x9f: {  	s3 =	ssub.s32 $0x0, s20;
	[sflag:s22] =	ssyncset.done $0x0  }
0xa0: {  	[sflag:s22] =	ssyncadd.s32 s3;
	_ =	sdelay $0x1  }
0xa1: {  	s23 =	simm.s32 $0x1B8B  }
0xa2: {  	_ =	swait.ge [sflag:s23], $0x1  }
0xa3: {  	[sflag:s23] =	ssyncset.done $0x0  }
0xa4: {  	s25 =	simm.s32 $0x1B8E;
	s24 =	sld [smem:$0x3FFE];
	[sflag:s23] =	ssyncadd.s32 $0xFFFFFFFF  }
0xa5: {  	s26 =	simm.s32 $execute0_lowered;
	[smem:$0x3FD2] =	sst s25  }
0xa6: {  	s4 =	sshll.u32 s26, $0x1;
	_ =	strace $0x80000046;
	[dreg:$0x1] =	wrdreg $0xFFFFFFFF  }
0xa7: {  	s28 =	simm.s32 $_size_execute0_lowered;
	s2 =	sadd.s32 s2, s4;
	[dreg:$0x0] =	wrdreg $0x0  }
0xa8: {  	s4 =	sshll.u32 s28, $0x1;
	[dreg:$0x2] =	wrdreg s2  }
0xa9: {  	[dreg:$0x3] =	wrdreg s4  }
0xaa: {  	[dreg:$0x4] =	wrdreg $0xC0  }
0xab: {  	_ =	task [dreg:s6], $0x5FFFF  }
0xac: {  	[dreg:$0x1] =	wrdreg $0xFFFFFFFF  }
0xad: {  	[dreg:$0x0] =	wrdreg $0x60  }
0xae: {  	[dreg:$0x2] =	wrdreg s24  }
0xaf: {  	[dreg:$0x3] =	wrdreg $0xDD000  }
0xb0: {  	[dreg:$0x4] =	wrdreg $0x9  }
0xb1: {  	_ =	task.clear_ibuf [dreg:s6], $0x5FFFF;
	_ =	strace $0x90000046  }
0xb2: {  	s29 =	simm.s32 $0x9;
	_ =	strace $0x80000048  }
0xb3: {  	_ =	swait.ge [sflag:s29], $0x1  }
0xb4: {  	[sflag:s29] =	ssyncadd.s32 $0xFFFFFFFF  }
0xb5: {  	_ =	strace $0x90000048  }
0xb6: {  	_ =	sfence  }
0xb7: {  	s30 =	sld [smem:$0x0];
	_ =	sdelay $0x2  }
0xb8: {  	s31 =	sshll.u32 s1, $0xD;
	s1 =	sshrl.u32 s1, $0x2  }
0xb9: {  	s3 =	sand.u32 $0x4000, s31;
	s1 =	sadd.s32 s1, s30  }
0xba: {  	s0 =	sor.u32 s3, s0;
	s1 =	sshll.u32 s1, $0x11  }
0xbb: {  	s0 =	sor.u32 s1, s0  }
0xbc: {  	s0 =	sadd.s32 $0x8F2B, s0  }
0xbd: {  	[sflag:s0] =	ssyncadd.remote.s32 $0x1  }
0xbe: {  	_ =	sfence.sel $0xFFFF  }
0xbf: {  	[dreg:$0x0] =	wrdreg $0xFFFFFFFF;
	(pc) =	sbr.abs _section_cstart, $3  }
0xc0: {  	[dreg:$0x1] =	wrdreg $0xFFFFFFFF  }
0xc1: {  	_ =	task.clear_ibuf [dreg:s6], $0x2FFFF;
	_ =	strace $0x9FFFFFFF  }
0xc2: {  	(tm) =	ssettm $0x7FFFFFFF  }
0xc3: {  	_ =	shalt  }
tec
execute0_lowered:
.L_overlay_start_1:
0x0: {  	(tag) =	ssettag $0x1  }
0x1: {  	s5 =	rddreg [dreg:$0x0]  }
0x2: {  	s2 =	rddreg [dreg:$0x1]  }
0x3: {  	s0 =	rddreg [dreg:$0x2];
	s4 =	srdreg.scid  }
0x4: {  	s1 =	stileid.u32;
	s3 =	simm.s32 $0x0;
	s14 =	simm.s32 $0xC480  }
0x5: {  	s15 =	simm.s32 $0x80;
	s16 =	simm.s32 $0xC500;
	s17 =	simm.s32 $0xCD00  }
0x6: {  	s18 =	simm.s32 $0xD500;
	s19 =	simm.s32 $0x1;
	s20 =	simm.s32 $0x2  }
0x7: {  	s21 =	simm.s32 $0x3;
	s22 =	simm.s32 $0x10;
	s23 =	simm.s32 $0x0  }
0x8: {  	s6 =	sand.u32 $0x1, s4;
	s7 =	smul.u32 $0xC400, s1;
	[smem:$0x7FF] =	sst s3  }
0x9: {  	s24 =	sshll.u32 s1, $0x1;
	s4 =	sadd.s32 $0x18800, s5;
	s11 =	sshll.u32 s1, $0x2  }
0xa: {  	s12 =	sshll.u32 s1, $0x5;
	s8 =	smul.u32 $0x6200, s6;
	_ =	strace $0x80000047  }
0xb: {  	s9 =	sor.u32 s6, s24;
	s11 =	sand.u32 $0x30, s11;
	s12 =	sand.u32 $0x40, s12  }
0xc: {  	s6 =	ssub.s32 $0x2, s6;
	s10 =	sand.u32 $0x7, s9;
	s9 =	sand.u32 $0x3, s9  }
0xd: {  	s28 =	sshrl.u32 s6, $0x1;
	s29 =	sshrl.u32 s7, $0x3;
	s10 =	smul.u32 $0x310000, s10  }
0xe: {  	s8 =	sadd.s32 s8, s7;
	s9 =	smul.u32 $0x310000, s9;
	s31 =	ssub.s32 s6, s28  }
0xf: {  	s6 =	sadd.s32 s7, s2;
	s8 =	sshrl.u32 s8, $0x3;
	s7 =	smax.u32 s31, $0x1  }
0x10: {  	s10 =	sor.u32 s11, s10;
	s13 =	sadd.s32 s8, s5;
	s9 =	sor.u32 s12, s9  }
0x11: {  	s12 =	simm.s32 $0x4;
	s25 =	sshrl.u32 s10, $0x3;
	s26 =	sor.u32 s11, s9  }
0x12: {  	s9 =	sadd.s32 $0x31000, s13;
	s10 =	sadd.s32 s25, s5;
	s8 =	sshrl.u32 s26, $0x3  }
0x13: {  	s30 =	sadd.s32 s8, s5;
	s5 =	sadd.s32 s5, s29;
	s8 =	sadd.s32 $0x49800, s13  }
0x14: {  	s10 =	sadd.s32 $0x62008, s10;
	s13 =	simm.s32 $0xC400;
	s11 =	sadd.s32 $0x372000, s30  }
.LBB2_1:
0x15: {  	[tilespmem:s3], [sflag:$0x4] =	stream.linear.gather [hbm4b:s5+s3], $0xC400, $0x38;
	[tilespmem:$0x1A100] =	vst v63  }
0x16: {  	_ =	swait.ge [sflag:s12], $0xC400  }
0x17: {  	[sflag:s12] =	ssyncset.done $0x0  }
0x18: {  	[sflag:s12] =	ssyncadd.s32 $0xFFFF3C00  }
0x19: {  	[spmem:s6] =	stream.linear.scatter [tilespmem:s3], [sflag:$0x4], $0xC400, $0x38;
	[tilespmem:$0x1A100] =	vst v63  }
0x1a: {  	_ =	swait.ge [sflag:s12], $0xC400  }
0x1b: {  	[sflag:s12] =	ssyncset.done $0x0  }
0x1c: {  	[sflag:s12] =	ssyncadd.s32 $0xFFFF3C00  }
0x1d: {  	s24 =	sadd.s32 $0x0, s9;
	[bflag:$0x0] =	sbarrier.arrive $0xFFFF  }
0x1e: {  	[tilespmem:s13], [sflag:$0x4] =	stream.linear.gather [hbm4b:s24+s3], $0x80, $0x38;
	[tilespmem:$0x1A100] =	vst v63  }
0x1f: {  	_ =	swait.ge [sflag:s12], $0x80  }
0x20: {  	[sflag:s12] =	ssyncset.done $0x0  }
0x21: {  	s30 =	sadd.s32 $0x0, s8;
	[sflag:s12] =	ssyncadd.s32 $0xFFFFFF80  }
0x22: {  	[tilespmem:s14], [sflag:$0x4] =	stream.linear.gather [hbm4b:s30+s3], $0x80, $0x38;
	[tilespmem:$0x1A100] =	vst v63  }
0x23: {  	_ =	swait.ge [sflag:s12], $0x80  }
0x24: {  	[sflag:s12] =	ssyncset.done $0x0  }
0x25: {  	[sflag:s12] =	ssyncadd.s32 $0xFFFFFF80  }
0x26: {  	[tilespmem:s16], [sflag:$0x1] =	stream.indirect.gather [spmem:s2], $0x10, s13, s15, $0xb8;
	[tilespmem:$0x1A100] =	vst v63  }
0x27: {  	_ = 	snop  }
0x28: {  	[tilespmem:s17], [sflag:$0x2] =	stream.indirect.gather [spmem:s2], $0x10, s14, s15, $0xb8;
	[tilespmem:$0x1A100] =	vst v63  }
0x29: {  	_ = 	snop  }
0x2a: {  	[tilespmem:s18], [sflag:$0x3] =	stream.indirect.gather [hbm4b:s4+s15], $0x10, s13, s15, $0xb8;
	[tilespmem:$0x1A100] =	vst v63  }
0x2b: {  	_ =	swait.ge [sflag:s19], $0x800  }
0x2c: {  	[sflag:s19] =	ssyncset.done $0x0  }
0x2d: {  	[sflag:s19] =	ssyncadd.s32 $0xFFFFF800  }
0x2e: {  	_ =	swait.ge [sflag:s20], $0x800  }
0x2f: {  	[sflag:s20] =	ssyncset.done $0x0  }
0x30: {  	[sflag:s20] =	ssyncadd.s32 $0xFFFFF800  }
0x31: {  	_ =	swait.ge [sflag:s21], $0x800  }
0x32: {  	[sflag:s21] =	ssyncset.done $0x0  }
0x33: {  	s31 =	sadd.s32 $0xFFFFFFF8, s10;
	[sflag:s21] =	ssyncadd.s32 $0xFFFFF800  }
0x34: {  	[hbm4b:s31+s22] =	stream.strided.scatter [tilespmem:s16], [sflag:$0x4], $0x800, s15, s22, $0x38;
	[tilespmem:$0x1A100] =	vst v63  }
0x35: {  	_ =	swait.ge [sflag:s12], $0x800  }
0x36: {  	[sflag:s12] =	ssyncset.done $0x0  }
0x37: {  	[sflag:s12] =	ssyncadd.s32 $0xFFFFF800  }
0x38: {  	[hbm4b:s10+s22] =	stream.strided.scatter [tilespmem:s17], [sflag:$0x4], $0x800, s15, s22, $0x38;
	[tilespmem:$0x1A100] =	vst v63  }
0x39: {  	_ =	swait.ge [sflag:s12], $0x800  }
0x3a: {  	[sflag:s12] =	ssyncset.done $0x0  }
0x3b: {  	[sflag:s12] =	ssyncadd.s32 $0xFFFFF800  }
0x3c: {  	[hbm4b:s11+s22] =	stream.strided.scatter [tilespmem:s18], [sflag:$0x4], $0x800, s15, s22, $0x38;
	[tilespmem:$0x1A100] =	vst v63  }
0x3d: {  	s26 =	simm.s32 $0x10;
	s29 =	simm.s32 $0x20;
	_ =	swait.ge [sflag:s12], $0x800  }
0x3e: {  	s25 =	sadd.s32 $0x800, s10;
	s24 =	sadd.s32 $0x800, s11;
	[sflag:s12] =	ssyncset.done $0x0  }
.LBB2_2:
0x3f: {  	s30 =	sadd.s32 s26, s9  }
0x40: {  	[sflag:s12] =	ssyncadd.s32 $0xFFFFF800;
	s31 =	smov.u32 s29;
	s28 =	sadd.s32 $0x10, s29  }
0x41: {  	[tilespmem:s13], [sflag:$0x4] =	stream.linear.gather [hbm4b:s30+s3], $0x80, $0x38;
	[tilespmem:$0x1A100] =	vst v63  }
0x42: {  	p0 =	sne.s32 s29, $0xC30;
	_ =	swait.ge [sflag:s12], $0x80  }
0x43: {  	[sflag:s12] =	ssyncset.done $0x0  }
0x44: {  	s29 =	sadd.s32 s26, s8;
	s26 =	smov.u32 s31;
	[sflag:s12] =	ssyncadd.s32 $0xFFFFFF80  }
0x45: {  	[tilespmem:s14], [sflag:$0x4] =	stream.linear.gather [hbm4b:s29+s3], $0x80, $0x38;
	[tilespmem:$0x1A100] =	vst v63  }
0x46: {  	_ =	swait.ge [sflag:s12], $0x80  }
0x47: {  	[sflag:s12] =	ssyncset.done $0x0  }
0x48: {  	[sflag:s12] =	ssyncadd.s32 $0xFFFFFF80  }
0x49: {  	[tilespmem:s16], [sflag:$0x1] =	stream.indirect.gather [spmem:s2], $0x10, s13, s15, $0xb8;
	[tilespmem:$0x1A100] =	vst v63  }
0x4a: {  	_ = 	snop  }
0x4b: {  	[tilespmem:s17], [sflag:$0x2] =	stream.indirect.gather [spmem:s2], $0x10, s14, s15, $0xb8;
	[tilespmem:$0x1A100] =	vst v63  }
0x4c: {  	_ = 	snop  }
0x4d: {  	[tilespmem:s18], [sflag:$0x3] =	stream.indirect.gather [hbm4b:s4+s15], $0x10, s13, s15, $0xb8;
	[tilespmem:$0x1A100] =	vst v63  }
0x4e: {  	_ =	swait.ge [sflag:s19], $0x800  }
0x4f: {  	[sflag:s19] =	ssyncset.done $0x0  }
0x50: {  	[sflag:s19] =	ssyncadd.s32 $0xFFFFF800  }
0x51: {  	_ =	swait.ge [sflag:s20], $0x800  }
0x52: {  	[sflag:s20] =	ssyncset.done $0x0  }
0x53: {  	[sflag:s20] =	ssyncadd.s32 $0xFFFFF800  }
0x54: {  	_ =	swait.ge [sflag:s21], $0x800  }
0x55: {  	[sflag:s21] =	ssyncset.done $0x0  }
0x56: {  	s29 =	sadd.s32 $0xFFFFFFF8, s25;
	[sflag:s21] =	ssyncadd.s32 $0xFFFFF800  }
0x57: {  	[hbm4b:s29+s22] =	stream.strided.scatter [tilespmem:s16], [sflag:$0x4], $0x800, s15, s22, $0x38;
	[tilespmem:$0x1A100] =	vst v63  }
0x58: {  	_ =	swait.ge [sflag:s12], $0x800  }
0x59: {  	[sflag:s12] =	ssyncset.done $0x0  }
0x5a: {  	[sflag:s12] =	ssyncadd.s32 $0xFFFFF800  }
0x5b: {  	[hbm4b:s25+s22] =	stream.strided.scatter [tilespmem:s17], [sflag:$0x4], $0x800, s15, s22, $0x38;
	[tilespmem:$0x1A100] =	vst v63  }
0x5c: {  	_ =	swait.ge [sflag:s12], $0x800  }
.Ltmp0:
0x5d: {  	[sflag:s12] =	ssyncset.done $0x0;
	(pc) =	sbr.rel @p0 .LBB2_2-.Ltmp0, $4  }
0x5e: {  	[sflag:s12] =	ssyncadd.s32 $0xFFFFF800  }
0x5f: {  	[hbm4b:s24+s22] =	stream.strided.scatter [tilespmem:s18], [sflag:$0x4], $0x800, s15, s22, $0x38;
	[tilespmem:$0x1A100] =	vst v63  }
0x60: {  	s29 =	smov.u32 s28;
	_ =	swait.ge [sflag:s12], $0x800  }
0x61: {  	s25 =	sadd.s32 $0x800, s25;
	s24 =	sadd.s32 $0x800, s24;
	[sflag:s12] =	ssyncset.done $0x0  }
0x62: {  	s28 =	sadd.s32 s26, s9;
	[sflag:s12] =	ssyncadd.s32 $0xFFFFF800  }
0x63: {  	[tilespmem:s13], [sflag:$0x4] =	stream.linear.gather [hbm4b:s28+s3], $0x80, $0x38;
	[tilespmem:$0x1A100] =	vst v63  }
0x64: {  	_ =	swait.ge [sflag:s12], $0x80  }
0x65: {  	[sflag:s12] =	ssyncset.done $0x0  }
0x66: {  	s30 =	sadd.s32 s26, s8;
	[sflag:s12] =	ssyncadd.s32 $0xFFFFFF80  }
0x67: {  	[tilespmem:s14], [sflag:$0x4] =	stream.linear.gather [hbm4b:s30+s3], $0x80, $0x38;
	[tilespmem:$0x1A100] =	vst v63  }
0x68: {  	_ =	swait.ge [sflag:s12], $0x80  }
0x69: {  	[sflag:s12] =	ssyncset.done $0x0  }
0x6a: {  	[sflag:s12] =	ssyncadd.s32 $0xFFFFFF80  }
0x6b: {  	[tilespmem:s16], [sflag:$0x1] =	stream.indirect.gather [spmem:s2], $0x10, s13, s15, $0xb8;
	[tilespmem:$0x1A100] =	vst v63  }
0x6c: {  	_ = 	snop  }
0x6d: {  	[tilespmem:s17], [sflag:$0x2] =	stream.indirect.gather [spmem:s2], $0x10, s14, s15, $0xb8;
	[tilespmem:$0x1A100] =	vst v63  }
0x6e: {  	_ = 	snop  }
0x6f: {  	[tilespmem:s18], [sflag:$0x3] =	stream.indirect.gather [hbm4b:s4+s15], $0x10, s13, s15, $0xb8;
	[tilespmem:$0x1A100] =	vst v63  }
0x70: {  	_ =	swait.ge [sflag:s19], $0x800  }
0x71: {  	[sflag:s19] =	ssyncset.done $0x0  }
0x72: {  	[sflag:s19] =	ssyncadd.s32 $0xFFFFF800  }
0x73: {  	_ =	swait.ge [sflag:s20], $0x800  }
0x74: {  	[sflag:s20] =	ssyncset.done $0x0  }
0x75: {  	[sflag:s20] =	ssyncadd.s32 $0xFFFFF800  }
0x76: {  	_ =	swait.ge [sflag:s21], $0x800  }
0x77: {  	[sflag:s21] =	ssyncset.done $0x0  }
0x78: {  	s31 =	sadd.s32 $0xFFFFFFF8, s25;
	[sflag:s21] =	ssyncadd.s32 $0xFFFFF800  }
0x79: {  	[hbm4b:s31+s22] =	stream.strided.scatter [tilespmem:s16], [sflag:$0x4], $0x800, s15, s22, $0x38;
	[tilespmem:$0x1A100] =	vst v63  }
0x7a: {  	_ =	swait.ge [sflag:s12], $0x800  }
0x7b: {  	[sflag:s12] =	ssyncset.done $0x0  }
0x7c: {  	[sflag:s12] =	ssyncadd.s32 $0xFFFFF800  }
0x7d: {  	[hbm4b:s25+s22] =	stream.strided.scatter [tilespmem:s17], [sflag:$0x4], $0x800, s15, s22, $0x38;
	[tilespmem:$0x1A100] =	vst v63  }
0x7e: {  	s23 =	sadd.s32 $0x1, s23;
	_ =	swait.ge [sflag:s12], $0x800  }
0x7f: {  	p0 =	sne.s32 s23, s7;
	[sflag:s12] =	ssyncset.done $0x0  }
.Ltmp1:
0x80: {  	[sflag:s12] =	ssyncadd.s32 $0xFFFFF800;
	(pc) =	sbr.rel @p0 .LBB2_1-.Ltmp1, $4  }
0x81: {  	[hbm4b:s24+s22] =	stream.strided.scatter [tilespmem:s18], [sflag:$0x4], $0x800, s15, s22, $0x38;
	[tilespmem:$0x1A100] =	vst v63  }
0x82: {  	_ =	swait.ge [sflag:s12], $0x800  }
0x83: {  	[sflag:s12] =	ssyncset.done $0x0  }
0x84: {  	[sflag:s12] =	ssyncadd.s32 $0xFFFFF800  }
0x85: {  	_ =	sfence.sel $0x180000  }
0x86: {  	[bflag:$0x0] =	sbarrier.arrive $0xFFFF  }
0x87: {  	p0 =	sne.s32 s1, $0x0;
	_ =	strace $0x90000047  }
0x88: {  	s0 =	sadd.s32 @!p0 $0x100000, s0;
	[bflag:$0x2] =	sbarrier.arrive $0xFFFF  }
0x89: {  	[sflag:s0] =	ssyncadd.tile.s32 @!p0 $0x1;
	_ =	shalt  }
.Lfunc_end2:
_tile_overlayer_lowered:
.L_overlay_start_2:
0x8a: {  	(tag) =	ssettag $0x2  }
0x8b: {  	s0 =	rddreg [dreg:$0x0];
	s2 =	stileid.u32  }
0x8c: {  	s1 =	rddreg [dreg:$0x1];
	p0 =	sne.s32 s2, $0x0  }
0x8d: {  	s3 =	rddreg [dreg:$0x2];
	[bflag:$0x3] =	sbarrier.arrive $0xFFFF;
	s2 =	simm.s32 @!p0 $0x1C04  }
0x8e: {  	[timem:s3], [sflag:s2] =	dma.local @!p0 [hbm:s0], s1  }
0x8f: {  	s0 =	simm.s32 @!p0 $0x4  }
0x90: {  	_ =	swait.ge @!p0 [sflag:s0], s1  }
0x91: {  	s1 =	ssub.s32 @!p0 $0x0, s1;
	[sflag:s0] =	ssyncset.done @!p0 $0x0  }
0x92: {  	[sflag:s0] =	ssyncadd.s32 @!p0 s1  }
0x93: {  	[bflag:$0x3] =	sbarrier.arrive $0xFFFF  }
0x94: {  	_ =	shalt  }

// kernel: kernel.9.cloned.1.call-start
scs
__scs_entry_jumppad:
0x0: {  	(pc) =	sbr.rel $0x88, $3  }
0x1: {  	(tag) =	ssettag $0x0;
	lr =	simm.s32 $0x1  }
0x2: {  	[smem:$0x3F97] =	sst lr;
	_ =	strace $0xD0000000  }
0x3: {  	_ = 	snop  }
0x4: {  	_ = 	snop  }
0x5: {  	_ = 	snop  }
0x6: {  	_ = 	snop  }
0x7: {  	_ = 	snop  }
__scs_overlays_trampoline_lowered:
0x8: {  	[smem:$0x3FA6] =	sst s0  }
0x9: {  	[smem:$0x3FA7] =	sst s1  }
0xa: {  	[smem:$0x3FA8] =	sst s2  }
0xb: {  	[smem:$0x3FA9] =	sst s3  }
0xc: {  	[smem:$0x3FAA] =	sst s4  }
0xd: {  	[smem:$0x3FAB] =	sst s5  }
0xe: {  	[smem:$0x3FAC] =	sst s6  }
0xf: {  	[smem:$0x3FAD] =	sst s7  }
0x10: {  	[smem:$0x3FAE] =	sst s8  }
0x11: {  	[smem:$0x3FAF] =	sst s9;
	s0 =	simm.s32 @!p0 $0x0  }
0x12: {  	s1 =	sld [smem:$0x3F95];
	s0 =	simm.s32 @p0 $0x1  }
0x13: {  	[smem:$0x3FB0] =	sst s0;
	s0 =	simm.s32 @!p1 $0x0  }
0x14: {  	s2 =	sld [smem:$0x3F94];
	s0 =	simm.s32 @p1 $0x1  }
0x15: {  	[smem:$0x3FB1] =	sst s0;
	s0 =	simm.s32 @!p2 $0x0  }
0x16: {  	s3 =	sld [smem:$0x3FDB];
	s0 =	simm.s32 @p2 $0x1  }
0x17: {  	s4 =	simm.s32 $0x1BF5;
	[smem:$0x3FB3] =	sst s0  }
0x18: {  	s0 =	sld [smem:$0x3F96];
	_ =	swait.ge [sflag:s4], $0x0  }
0x19: {  	s7 =	sld [smem:$0x3F97]  }
0x1a: {  	s8 =	sadd.s32 $0xFFFFE003, lr  }
0x1b: {  	s9 =	sadd.s32 $0xFFFFFEF7, lr;
	s5 =	simm.s32 $0xFFFFFFFF;
	p2 =	slt.u32 s8, $0xFFFFF086  }
0x1c: {  	p1 =	slt.u32 s9, $0xF7A;
	s5 =	simm.s32 @!p2 $0x0  }
0x1d: {  	s5 =	simm.s32 @p1 $0x1;
	p0 =	seq.s32 s7, s2  }
0x1e: {  	s7 =	smul.u32 @!p0 $0xF7A, s2;
	p2 =	seq.s32 @!p0 s5, $0x0  }
0x1f: {  	s9 =	smul.u32 $0xF7A, s1;
	s8 =	simm.s32 @!p0 $0x1BF5;
	p2 =	por !p2, p0  }
0x20: {  	[sflag:s8] =	ssyncset.s32 @!p0 $0xFFFFF086;
	s6 =	sadd.s32 @!p0 s3, s7;
	s7 =	simm.s32 @!p0 $0x108  }
0x21: {  	s3 =	sadd.s32 s3, s9;
	s6 =	sadd.s32 @!p0 $0x88, s6;
	s7 =	simm.s32 @p2 $0x1082  }
0x22: {  	[simem:s7], [sflag:s8] =	dma.local @!p0 [hbm:s6], $0xF7A  }
0x23: {  	s9 =	sor.u32 $0xD0000000, s2;
	s6 =	simm.s32 $0x108;
	_ =	swait.ge @!p0 [sflag:s8], $0x0  }
0x24: {  	s3 =	sadd.s32 $0x88, s3;
	s6 =	simm.s32 @!p1 $0x1082;
	[sflag:s4] =	ssyncset.s32 $0xFFFFF086  }
0x25: {  	[simem:s6], [sflag:s4] =	dma.local [hbm:s3], $0xF7A  }
0x26: {  	[smem:$0x3F97] =	sst s1;
	(tag) =	ssettag s2;
	_ =	strace s9  }
0x27: {  	s1 =	sld [smem:$0x3FA7]  }
0x28: {  	s2 =	sld [smem:$0x3FA8]  }
0x29: {  	s4 =	sld [smem:$0x3FAA]  }
0x2a: {  	p0 =	seq.s32 s5, $0x0;
	s5 =	sld [smem:$0x3FAB]  }
0x2b: {  	s6 =	sld [smem:$0x3FAC]  }
0x2c: {  	s7 =	sld [smem:$0x3FAD]  }
0x2d: {  	s3 =	simm.s32 $0x108;
	s8 =	sld [smem:$0x3FAE]  }
0x2e: {  	s3 =	simm.s32 @!p0 $0x1082;
	s9 =	sld [smem:$0x3FAF]  }
0x2f: {  	lr =	sadd.s32 s0, s3;
	s0 =	sld [smem:$0x3FA6]  }
0x30: {  	s3 =	sld [smem:$0x3FA9]  }
0x31: {  	[smem:$0x3FB2] =	sst s10  }
0x32: {  	s10 =	sld [smem:$0x3FB0];
	_ =	sdelay $0x3  }
0x33: {  	p0 =	seq.s32 s10, $0x1;
	s10 =	sld [smem:$0x3FB2];
	_ =	sdelay $0x3  }
0x34: {  	[smem:$0x3FB2] =	sst s10  }
0x35: {  	s10 =	sld [smem:$0x3FB1];
	_ =	sdelay $0x3  }
0x36: {  	p1 =	seq.s32 s10, $0x1;
	s10 =	sld [smem:$0x3FB2];
	_ =	sdelay $0x3  }
0x37: {  	[smem:$0x3FB2] =	sst s10  }
0x38: {  	s10 =	sld [smem:$0x3FB3]  }
0x39: {  	_ = 	snop;
	(pc) =	sbr.ind lr, $3  }
0x3a: {  	_ = 	snop  }
0x3b: {  	_ = 	snop  }
0x3c: {  	p2 =	seq.s32 s10, $0x1;
	s10 =	sld [smem:$0x3FB2]  }
0x3d: {  	_ =	shalt  }
0x3e: {  	_ =	shalt  }
0x3f: {  	_ =	shalt  }
0x40: {  	_ =	shalt  }
0x41: {  	_ =	shalt  }
0x42: {  	_ =	shalt  }
0x43: {  	_ =	shalt  }
0x44: {  	_ =	shalt  }
0x45: {  	_ =	shalt  }
0x46: {  	_ =	shalt  }
0x47: {  	_ =	shalt  }
0x48: {  	_ =	shalt  }
0x49: {  	_ =	shalt  }
0x4a: {  	_ =	shalt  }
0x4b: {  	_ =	shalt  }
0x4c: {  	_ =	shalt  }
0x4d: {  	_ =	shalt  }
0x4e: {  	_ =	shalt  }
0x4f: {  	_ =	shalt  }
0x50: {  	_ =	shalt  }
0x51: {  	_ =	shalt  }
0x52: {  	_ =	shalt  }
0x53: {  	_ =	shalt  }
0x54: {  	_ =	shalt  }
0x55: {  	_ =	shalt  }
0x56: {  	_ =	shalt  }
0x57: {  	_ =	shalt  }
0x58: {  	_ =	shalt  }
0x59: {  	_ =	shalt  }
0x5a: {  	_ =	shalt  }
0x5b: {  	_ =	shalt  }
0x5c: {  	_ =	shalt  }
0x5d: {  	_ =	shalt  }
0x5e: {  	_ =	shalt  }
0x5f: {  	_ =	shalt  }
0x60: {  	_ =	shalt  }
0x61: {  	_ =	shalt  }
0x62: {  	_ =	shalt  }
0x63: {  	_ =	shalt  }
0x64: {  	_ =	shalt  }
0x65: {  	_ =	shalt  }
0x66: {  	_ =	shalt  }
0x67: {  	_ =	shalt  }
0x68: {  	_ =	shalt  }
0x69: {  	_ =	shalt  }
0x6a: {  	_ =	shalt  }
0x6b: {  	_ =	shalt  }
0x6c: {  	_ =	shalt  }
0x6d: {  	_ =	shalt  }
0x6e: {  	_ =	shalt  }
0x6f: {  	_ =	shalt  }
0x70: {  	_ =	shalt  }
0x71: {  	_ =	shalt  }
0x72: {  	_ =	shalt  }
0x73: {  	_ =	shalt  }
0x74: {  	_ =	shalt  }
0x75: {  	_ =	shalt  }
0x76: {  	_ =	shalt  }
0x77: {  	_ =	shalt  }
0x78: {  	_ =	shalt  }
0x79: {  	_ =	shalt  }
0x7a: {  	_ =	shalt  }
0x7b: {  	_ =	shalt  }
0x7c: {  	_ =	shalt  }
0x7d: {  	_ =	shalt  }
0x7e: {  	_ =	shalt  }
0x7f: {  	_ =	shalt  }
0x80: {  	_ =	shalt  }
0x81: {  	_ =	shalt  }
0x82: {  	_ =	shalt  }
0x83: {  	_ =	shalt  }
0x84: {  	_ =	shalt  }
0x85: {  	_ =	shalt  }
0x86: {  	_ =	shalt  }
0x87: {  	_ =	shalt  }
.Lfunc_end0:
.L_simem_size_0:
called_computation.1_lowered:
.L_overlay_start_0:
0x88: {  	s2 =	sld [smem:$0x3FD9]  }
0x89: {  	s3 =	sld [smem:$0x3FFE];
	_ =	sdelay $0x1  }
0x8a: {  	s1 =	srdreg.scid  }
0x8b: {  	s0 =	sand.u32 $0x1, s1  }
0x8c: {  	s17 =	sshll.u32 s0, $0xA;
	s2 =	sadd.s32 s3, s2  }
0x8d: {  	s2 =	sadd.s32 s2, s17  }
0x8e: {  	[smem:$0x3FBE] =	sst s2  }
0x8f: {  	_ = 	snop  }
0x90: {  	s2 =	sld [smem:$0x3FD0];
	(tm) =	ssettm $0x1  }
0x91: {  	s18 =	sld [smem:$0x3FFB];
	_ =	sdelay $0x3  }
0x92: {  	_ =	strace s18  }
0x93: {  	s3 =	sld [smem:$0x3FFC];
	_ =	sdelay $0x3  }
0x94: {  	_ =	strace s3  }
0x95: {  	s3 =	sld [smem:$0x3FFD];
	_ =	sdelay $0x3  }
0x96: {  	_ =	strace s3  }
0x97: {  	_ =	strace $0x8FFFFFFF  }
0x98: {  	s19 =	sld [smem:$0x3FDB];
	_ =	sdelay $0x1  }
0x99: {  	s4 =	simm.s32 $_scs_section_size  }
0x9a: {  	s5 =	simm.s32 $_size__tile_overlayer_lowered;
	s6 =	simm.s32 $_tile_overlayer_lowered  }
0x9b: {  	s22 =	simm.s32 $0x1BFF;
	s21 =	sshll.u32 s6, $0x1;
	s3 =	sadd.s32 s4, s19  }
0x9c: {  	s7 =	simm.s32 $0x0;
	s20 =	sshll.u32 s5, $0x1;
	s5 =	sadd.s32 s21, s3  }
0x9d: {  	[timem:s7], [sflag:s22] =	dma.local [hbm:s5], s20  }
0x9e: {  	_ =	swait.ge [sflag:s22], s20  }
0x9f: {  	s4 =	ssub.s32 $0x0, s20;
	[sflag:s22] =	ssyncset.done $0x0  }
0xa0: {  	[sflag:s22] =	ssyncadd.s32 s4;
	_ =	sdelay $0x1  }
0xa1: {  	s23 =	simm.s32 $0x1B8B  }
0xa2: {  	_ =	swait.ge [sflag:s23], $0x1  }
0xa3: {  	[sflag:s23] =	ssyncset.done $0x0  }
0xa4: {  	s25 =	simm.s32 $0x1B8E;
	s24 =	sld [smem:$0x3FFE];
	[sflag:s23] =	ssyncadd.s32 $0xFFFFFFFF  }
0xa5: {  	s26 =	simm.s32 $execute0_lowered;
	[smem:$0x3FD2] =	sst s25  }
0xa6: {  	s5 =	sshll.u32 s26, $0x1;
	_ =	strace $0x80000049;
	[dreg:$0x1] =	wrdreg $0xFFFFFFFF  }
0xa7: {  	s28 =	simm.s32 $_size_execute0_lowered;
	s3 =	sadd.s32 s3, s5;
	[dreg:$0x0] =	wrdreg $0x0  }
0xa8: {  	s5 =	sshll.u32 s28, $0x1;
	[dreg:$0x2] =	wrdreg s3  }
0xa9: {  	[dreg:$0x3] =	wrdreg s5  }
0xaa: {  	[dreg:$0x4] =	wrdreg $0xC0  }
0xab: {  	_ =	task [dreg:s7], $0x5FFFF  }
0xac: {  	[dreg:$0x1] =	wrdreg $0xFFFFFFFF  }
0xad: {  	[dreg:$0x0] =	wrdreg $0x60  }
0xae: {  	[dreg:$0x2] =	wrdreg s24  }
0xaf: {  	[dreg:$0x3] =	wrdreg s2  }
0xb0: {  	[dreg:$0x4] =	wrdreg $0x8800  }
0xb1: {  	[dreg:$0x5] =	wrdreg $0x9  }
0xb2: {  	_ =	task.clear_ibuf [dreg:s7], $0x6FFFF;
	_ =	strace $0x90000049  }
0xb3: {  	s29 =	simm.s32 $0x9;
	_ =	strace $0x8000004B  }
0xb4: {  	_ =	swait.ge [sflag:s29], $0x1  }
0xb5: {  	[sflag:s29] =	ssyncadd.s32 $0xFFFFFFFF  }
0xb6: {  	_ =	strace $0x9000004B  }
0xb7: {  	_ =	sfence  }
0xb8: {  	s30 =	sld [smem:$0x0];
	_ =	sdelay $0x2  }
0xb9: {  	s31 =	sshll.u32 s1, $0xD;
	s1 =	sshrl.u32 s1, $0x2  }
0xba: {  	s3 =	sand.u32 $0x4000, s31;
	s1 =	sadd.s32 s1, s30  }
0xbb: {  	s0 =	sor.u32 s3, s0;
	s1 =	sshll.u32 s1, $0x11  }
0xbc: {  	s0 =	sor.u32 s1, s0  }
0xbd: {  	s0 =	sadd.s32 $0x8F2B, s0  }
0xbe: {  	[sflag:s0] =	ssyncadd.remote.s32 $0x1  }
0xbf: {  	_ =	sfence.sel $0xFFFF  }
0xc0: {  	[dreg:$0x0] =	wrdreg $0xFFFFFFFF;
	(pc) =	sbr.abs _section_cstart, $3  }
0xc1: {  	[dreg:$0x1] =	wrdreg $0xFFFFFFFF  }
0xc2: {  	_ =	task.clear_ibuf [dreg:s7], $0x2FFFF;
	_ =	strace $0x9FFFFFFF  }
0xc3: {  	(tm) =	ssettm $0x7FFFFFFF  }
tec
execute0_lowered:
.L_overlay_start_1:
0x0: {  	(tag) =	ssettag $0x1  }
0x1: {  	s6 =	rddreg [dreg:$0x0]  }
0x2: {  	s2 =	rddreg [dreg:$0x1];
	s1 =	srdreg.scid  }
0x3: {  	s0 =	stileid.u32;
	s3 =	rddreg [dreg:$0x2];
	s15 =	simm.s32 $0x0  }
0x4: {  	s5 =	sand.u32 $0x1, s1;
	s4 =	sshll.u32 s0, $0x1;
	s1 =	rddreg [dreg:$0x3]  }
0x5: {  	s8 =	smul.u32 $0xC400, s0;
	s12 =	sshll.u32 s0, $0x6;
	s13 =	sshll.u32 s0, $0x2  }
0x6: {  	s29 =	sshrl.u32 s0, $0x1;
	s7 =	sor.u32 s5, s4;
	s9 =	smul.u32 $0x6200, s5  }
0x7: {  	s4 =	simm.s32 $0x0;
	s10 =	ssub.s32 $0x2, s5;
	s5 =	smul.u32 $0xC4000, s5  }
0x8: {  	s28 =	sand.u32 $0x8, s13;
	s30 =	sand.u32 $0x6, s29;
	s13 =	simm.s32 $0x10  }
0x9: {  	s7 =	sand.u32 $0x3, s7;
	[smem:$0x7FF] =	sst s4;
	s11 =	sshrl.u32 s10, $0x1  }
0xa: {  	s26 =	sadd.s32 s8, s3;
	s7 =	smul.u32 $0x62000, s7;
	_ =	strace $0x8000004A  }
0xb: {  	s9 =	sadd.s32 s9, s8;
	s10 =	ssub.s32 s10, s11;
	s5 =	sadd.s32 s8, s5  }
0xc: {  	s11 =	simm.s32 $0x1;
	s9 =	sshrl.u32 s9, $0x3;
	s14 =	sshrl.u32 s5, $0x3  }
0xd: {  	s5 =	sor.u32 $0x1C01, s12;
	s12 =	simm.s32 $0x800;
	s7 =	sadd.s32 s7, s6  }
0xe: {  	s9 =	sadd.s32 s9, s6;
	s6 =	sadd.s32 s6, s14;
	s7 =	sadd.s32 s28, s7  }
0xf: {  	s14 =	simm.s32 $0x80;
	s8 =	sadd.s32 $0x49800, s9;
	s31 =	sadd.s32 s30, s7  }
0x10: {  	s7 =	smax.u32 s10, $0x1;
	s10 =	sshrl.u32 s26, $0x3;
	s9 =	sadd.s32 $0x4FA000, s31  }
.LBB2_1:
0x11: {  	[spmem:s10], [sflag:s5] =	dma.local [hbm:s2], $0x1880  }
0x12: {  	_ =	swait.ge [sflag:s11], $0x1880  }
0x13: {  	[sflag:s11] =	ssyncset.done $0x0  }
0x14: {  	[sflag:s11] =	ssyncadd.s32 $0xFFFFE780  }
0x15: {  	s16 =	sadd.s32 $0x0, s8;
	[bflag:$0x0] =	sbarrier.arrive $0xFFFF  }
0x16: {  	[tilespmem:s12], [sflag:$0x1] =	stream.linear.gather [hbm4b:s16+s4], $0x80, $0x38;
	[tilespmem:$0xCC80] =	vst v63  }
0x17: {  	_ =	swait.ge [sflag:s11], $0x80  }
0x18: {  	[sflag:s11] =	ssyncset.done $0x0  }
0x19: {  	[sflag:s11] =	ssyncadd.s32 $0xFFFFFF80  }
0x1a: {  	[tilespmem:s4], [sflag:$0x1] =	stream.strided.gather [hbm4b:s9+s13], $0x800, s14, s13, $0x38;
	[tilespmem:$0xCC80] =	vst v63  }
0x1b: {  	_ =	swait.ge [sflag:s11], $0x800  }
0x1c: {  	[sflag:s11] =	ssyncset.done $0x0  }
0x1d: {  	[sflag:s11] =	ssyncadd.s32 $0xFFFFF800  }
0x1e: {  	[spmem:s3] =	stream.indirect.scatter.add.f32 [tilespmem:s4], [sflag:$0x1], $0x10, s12, s14, $0xb8;
	[tilespmem:$0xCC80] =	vst v63  }
0x1f: {  	s17 =	simm.s32 $0x10;
	_ =	swait.ge [sflag:s11], $0x800  }
0x20: {  	s18 =	simm.s32 $0x20;
	s16 =	sadd.s32 $0x800, s9;
	[sflag:s11] =	ssyncset.done $0x0  }
.LBB2_2:
0x21: {  	s19 =	sadd.s32 s17, s8  }
0x22: {  	[sflag:s11] =	ssyncadd.s32 $0xFFFFF800;
	s17 =	smov.u32 s18;
	s20 =	sadd.s32 $0x10, s18  }
0x23: {  	[tilespmem:s12], [sflag:$0x1] =	stream.linear.gather [hbm4b:s19+s4], $0x80, $0x38;
	[tilespmem:$0xCC80] =	vst v63  }
0x24: {  	p0 =	sne.s32 s18, $0xC30;
	_ =	swait.ge [sflag:s11], $0x80  }
0x25: {  	[sflag:s11] =	ssyncset.done $0x0  }
0x26: {  	[sflag:s11] =	ssyncadd.s32 $0xFFFFFF80  }
0x27: {  	[tilespmem:s4], [sflag:$0x1] =	stream.strided.gather [hbm4b:s16+s13], $0x800, s14, s13, $0x38;
	[tilespmem:$0xCC80] =	vst v63  }
0x28: {  	_ =	swait.ge [sflag:s11], $0x800  }
.Ltmp0:
0x29: {  	[sflag:s11] =	ssyncset.done $0x0;
	(pc) =	sbr.rel @p0 .LBB2_2-.Ltmp0, $4  }
0x2a: {  	[sflag:s11] =	ssyncadd.s32 $0xFFFFF800  }
0x2b: {  	[spmem:s3] =	stream.indirect.scatter.add.f32 [tilespmem:s4], [sflag:$0x1], $0x10, s12, s14, $0xb8;
	[tilespmem:$0xCC80] =	vst v63  }
0x2c: {  	_ =	swait.ge [sflag:s11], $0x800  }
0x2d: {  	s18 =	smov.u32 s20;
	s16 =	sadd.s32 $0x800, s16;
	[sflag:s11] =	ssyncset.done $0x0  }
0x2e: {  	s17 =	sadd.s32 s17, s8;
	[sflag:s11] =	ssyncadd.s32 $0xFFFFF800  }
0x2f: {  	[tilespmem:s12], [sflag:$0x1] =	stream.linear.gather [hbm4b:s17+s4], $0x80, $0x38;
	[tilespmem:$0xCC80] =	vst v63  }
0x30: {  	_ =	swait.ge [sflag:s11], $0x80  }
0x31: {  	[sflag:s11] =	ssyncset.done $0x0  }
0x32: {  	[sflag:s11] =	ssyncadd.s32 $0xFFFFFF80  }
0x33: {  	[tilespmem:s4], [sflag:$0x1] =	stream.strided.gather [hbm4b:s16+s13], $0x800, s14, s13, $0x38;
	[tilespmem:$0xCC80] =	vst v63  }
0x34: {  	_ =	swait.ge [sflag:s11], $0x800  }
0x35: {  	[sflag:s11] =	ssyncset.done $0x0  }
0x36: {  	[sflag:s11] =	ssyncadd.s32 $0xFFFFF800  }
0x37: {  	[spmem:s3] =	stream.indirect.scatter.add.f32 [tilespmem:s4], [sflag:$0x1], $0x10, s12, s14, $0xb8;
	[tilespmem:$0xCC80] =	vst v63  }
0x38: {  	_ =	swait.ge [sflag:s11], $0x800  }
0x39: {  	s15 =	sadd.s32 $0x1, s15;
	[sflag:s11] =	ssyncset.done $0x0  }
0x3a: {  	p0 =	sne.s32 s15, s7;
	[sflag:s11] =	ssyncadd.s32 $0xFFFFF800  }
.Ltmp1:
0x3b: {  	[bflag:$0x0] =	sbarrier.arrive $0xFFFF;
	(pc) =	sbr.rel @p0 .LBB2_1-.Ltmp1, $4  }
0x3c: {  	[hbm:s6], [sflag:s5] =	dma.local [spmem:s10], $0x1880  }
0x3d: {  	_ =	swait.ge [sflag:s11], $0x1880  }
0x3e: {  	[sflag:s11] =	ssyncset.done $0x0  }
0x3f: {  	[sflag:s11] =	ssyncadd.s32 $0xFFFFE780  }
0x40: {  	_ =	sfence.sel $0x180000  }
0x41: {  	[bflag:$0x0] =	sbarrier.arrive $0xFFFF  }
0x42: {  	p0 =	sne.s32 s0, $0x0;
	_ =	strace $0x9000004A  }
0x43: {  	s0 =	sadd.s32 @!p0 $0x100000, s1;
	[bflag:$0x2] =	sbarrier.arrive $0xFFFF  }
0x44: {  	[sflag:s0] =	ssyncadd.tile.s32 @!p0 $0x1;
	_ =	shalt  }
.Lfunc_end2:
_tile_overlayer_lowered:
.L_overlay_start_2:
0x45: {  	(tag) =	ssettag $0x2  }
0x46: {  	s0 =	rddreg [dreg:$0x0];
	s2 =	stileid.u32  }
0x47: {  	s1 =	rddreg [dreg:$0x1];
	p0 =	sne.s32 s2, $0x0  }
0x48: {  	s3 =	rddreg [dreg:$0x2];
	[bflag:$0x3] =	sbarrier.arrive $0xFFFF;
	s2 =	simm.s32 @!p0 $0x1C01  }
0x49: {  	[timem:s3], [sflag:s2] =	dma.local @!p0 [hbm:s0], s1  }
0x4a: {  	s0 =	simm.s32 @!p0 $0x1  }
0x4b: {  	_ =	swait.ge @!p0 [sflag:s0], s1  }
0x4c: {  	s1 =	ssub.s32 @!p0 $0x0, s1;
	[sflag:s0] =	ssyncset.done @!p0 $0x0  }
0x4d: {  	[sflag:s0] =	ssyncadd.s32 @!p0 s1  }
0x4e: {  	[bflag:$0x3] =	sbarrier.arrive $0xFFFF  }
0x4f: {  	_ =	shalt  }

</sc_bundles>
